<compile_context>
chip_gen: v7x
topology: tpu7x:2x2x1
jax: 0.10.2.dev20260603
libtpu: 0.0.44.dev20260713+nightly
codegen_flags: <defaults>
</compile_context>

<pallas_src>
import jax
import jax.numpy as jnp
from jax import lax
from jax.experimental import pallas as pl
from jax.experimental.pallas import tpu as pltpu
from jax.experimental.pallas import tpu_sc as plsc

IGNORE = 1
L = 16
NC, NS = 2, 16
NW = NC * NS


def _make_sc_kernel(N, C):
    RPW = N // NW
    ZROWS = 4
    NCHUNK = RPW // ZROWS
    GRP = L // ZROWS

    def body(g_hbm, t_hbm, out_hbm, buf0, buf1, buf2, tloc, gloc,
             sem0, sem1, sem2):
        wid = lax.axis_index("s") * NC + lax.axis_index("c")
        base = wid * RPW

        pltpu.sync_copy(t_hbm.at[pl.ds(base, RPW)], tloc)
        pltpu.sync_copy(g_hbm.at[pl.ds(base, RPW)], gloc)

        zeros16 = jnp.zeros((L,), jnp.float32)
        iota16 = lax.iota(jnp.int32, L)
        UNROLL = 8

        def zinit(i, carry):
            for r in range(ZROWS):
                for u in range(UNROLL):
                    off = pl.multiple_of(i * (L * UNROLL), L * UNROLL) + u * L
                    buf0[r, pl.ds(off, L)] = zeros16
                    buf1[r, pl.ds(off, L)] = zeros16
                    buf2[r, pl.ds(off, L)] = zeros16
            return carry

        lax.fori_loop(0, C // (L * UNROLL), zinit, 0)

        def chunk_vectors(c):
            grp = c // GRP
            sub = c % GRP
            t16 = tloc[pl.ds(grp * L, L)]
            g16 = gloc[pl.ds(grp * L, L)]
            val16 = jnp.where(t16 == IGNORE, zeros16, -g16)
            ridx16 = iota16 - ZROWS * sub
            mask16 = (iota16 >= ZROWS * sub) & (iota16 < ZROWS * (sub + 1))
            return t16, val16, ridx16, mask16

        def dma(b, sem, c):
            row = pl.multiple_of(base + c * ZROWS, ZROWS)
            return pltpu.make_async_copy(b, out_hbm.at[pl.ds(row, ZROWS)], sem)

        NBUF = 3

        def do_chunk(c, b, sem):
            @pl.when(c >= NBUF)
            def _():
                dma(b, sem, c - NBUF).wait()
                pt16, _, pr16, pm16 = chunk_vectors(c - NBUF)
                plsc.store_scatter(b, [pr16, pt16], zeros16, mask=pm16)

            t16, val16, ridx16, mask16 = chunk_vectors(c)
            plsc.store_scatter(b, [ridx16, t16], val16, mask=mask16)
            dma(b, sem, c).start()

        def triple(p, carry):
            do_chunk(3 * p, buf0, sem0)
            do_chunk(3 * p + 1, buf1, sem1)
            do_chunk(3 * p + 2, buf2, sem2)
            return carry

        lax.fori_loop(0, NCHUNK // NBUF, triple, 0)
        do_chunk(NCHUNK - 1, buf0, sem0)

        dma(buf1, sem1, NCHUNK - 3).wait()
        dma(buf2, sem2, NCHUNK - 2).wait()
        dma(buf0, sem0, NCHUNK - 1).wait()

    mesh = plsc.VectorSubcoreMesh(core_axis_name="c", subcore_axis_name="s")
    return pl.kernel(
        body,
        out_type=jax.ShapeDtypeStruct((N, C), jnp.float32),
        mesh=mesh,
        compiler_params=pltpu.CompilerParams(needs_layout_passes=False),
        scratch_types=[
            pltpu.VMEM((ZROWS, C), jnp.float32),
            pltpu.VMEM((ZROWS, C), jnp.float32),
            pltpu.VMEM((ZROWS, C), jnp.float32),
            pltpu.VMEM((RPW,), jnp.int32),
            pltpu.VMEM((RPW,), jnp.float32),
            pltpu.SemaphoreType.DMA,
            pltpu.SemaphoreType.DMA,
            pltpu.SemaphoreType.DMA,
        ],
    )


def kernel(grad_output, input, target, total_weight):
    N, C = input.shape
    tgt = target.astype(jnp.int32)
    return _make_sc_kernel(N, C)(grad_output, tgt)

# --- scband reference (transcript-rebuilt; emitter-appended) ---
"""Pipeline reference for scband-nll-loss-module-backward-ignore-index-45621142618476 (READ-ONLY COPY).

The authoritative reference and input builder live on the scoring server;
editing this copy changes nothing except your own understanding.
"""

import jax, jax.numpy as jnp
import numpy as np

IGNORE_INDEX = 1

def setup_inputs(seed: int = 0) -> dict:
    key = jax.random.key(seed)
    k1, k2, k3 = jax.random.split(key, 3)
    N, C = 8192, 8192
    grad_output = jax.random.normal(k1, (N,), dtype=jnp.float32)
    inp = jax.random.normal(k2, (N, C), dtype=jnp.float32)
    target = jax.random.randint(k3, (N,), 0, C, dtype=jnp.int64)
    total_weight = jnp.ones((), dtype=jnp.float32)
    return {"grad_output": grad_output, "input": inp, "target": target, "total_weight": total_weight}

def reference(grad_output, input, target, total_weight):
    # aten.nll_loss_backward with reduction=0 ('none'), weight=None, ignore_index=1
    # grad_input[i, target[i]] = -grad_output[i], zeroed where target[i] == ignore_index
    N, C = input.shape
    mask = target != IGNORE_INDEX
    vals = jnp.where(mask, -grad_output, jnp.zeros_like(grad_output))
    rows = jnp.arange(N)
    grad_input = jnp.zeros(input.shape, dtype=input.dtype).at[rows, target].set(vals)
    return grad_input

if __name__ == "__main__":
    import jax
    _d = setup_inputs()
    print(jax.jit(kernel)(*tuple(_d.values())))

</pallas_src>

<mosaic_0001>
#map = affine_map<(d0, d1) -> (0)>
#map1 = affine_map<(d0, d1) -> (0, 0)>
module attributes {stable_mosaic.version = 14 : i64} {
  func.func @body(%arg0: i32, %arg1: i32, %arg2: memref<8192xf32, #tpu.memory_space<hbm>>, %arg3: memref<8192xi32, #tpu.memory_space<hbm>>, %arg4: memref<8192x8192xf32, #tpu.memory_space<hbm>>, %arg5: memref<4x8192xf32, #tpu.memory_space<vmem>>, %arg6: memref<4x8192xf32, #tpu.memory_space<vmem>>, %arg7: memref<4x8192xf32, #tpu.memory_space<vmem>>, %arg8: memref<256xi32, #tpu.memory_space<vmem>>, %arg9: memref<256xf32, #tpu.memory_space<vmem>>, %arg10: memref<!tpu.dma_semaphore, #tpu.memory_space<semaphore_mem>>, %arg11: memref<!tpu.dma_semaphore, #tpu.memory_space<semaphore_mem>>, %arg12: memref<!tpu.dma_semaphore, #tpu.memory_space<semaphore_mem>>) attributes {dimension_semantics = [#tpu.dimension_semantics<core_parallel>, #tpu.dimension_semantics<subcore_parallel>], iteration_bounds = array<i64: 2, 16>, scalar_prefetch = 0 : i64, scratch_operands = 8 : i64, tpu.core_type = #tpu.core_type<sc_vector_subcore>, window_params = [{transform_indices = #map}, {transform_indices = #map}, {transform_indices = #map1}]} {
    %mul3A = arith.constant 2 : i32
    %mul3A_0 = arith.muli %arg1, %mul3A : i32
    %add3A = arith.addi %mul3A_0, %arg0 : i32
    %mul3A_1 = arith.constant 256 : i32
    %mul3A_2 = arith.muli %add3A, %mul3A_1 : i32
    "tpu.region"() ({
      %run_scoped3A = tpu.sem_alloc : memref<!tpu.dma_semaphore, #tpu.memory_space<semaphore_mem>>
      %dma_start3A_81 = tpu.memref_slice %arg3[%mul3A_2] : memref<8192xi32, #tpu.memory_space<hbm>> -> memref<256xi32, #tpu.memory_space<hbm>>
      %dma_start3A_82 = tpu.memref_slice %arg3[%mul3A_2] : memref<8192xi32, #tpu.memory_space<hbm>> -> memref<256xi32, #tpu.memory_space<hbm>>
      tpu.enqueue_dma source(%dma_start3A_82 : memref<256xi32, #tpu.memory_space<hbm>>) target(%arg8 : memref<256xi32, #tpu.memory_space<vmem>>) target_semaphore(%run_scoped3A : memref<!tpu.dma_semaphore, #tpu.memory_space<semaphore_mem>>)
      %dma_wait3A_83 = tpu.memref_slice %arg3[%mul3A_2] : memref<8192xi32, #tpu.memory_space<hbm>> -> memref<256xi32, #tpu.memory_space<hbm>>
      %dma_wait3A_84 = tpu.memref_slice %arg3[%mul3A_2] : memref<8192xi32, #tpu.memory_space<hbm>> -> memref<256xi32, #tpu.memory_space<hbm>>
      tpu.wait_dma2 semaphore(%run_scoped3A : memref<!tpu.dma_semaphore, #tpu.memory_space<semaphore_mem>>) src(%dma_wait3A_84 : memref<256xi32, #tpu.memory_space<hbm>>) dst(%arg8 : memref<256xi32, #tpu.memory_space<vmem>>)
      tpu.yield
    }) : () -> ()
    "tpu.region"() ({
      %run_scoped3A = tpu.sem_alloc : memref<!tpu.dma_semaphore, #tpu.memory_space<semaphore_mem>>
      %dma_start3A_81 = tpu.memref_slice %arg2[%mul3A_2] : memref<8192xf32, #tpu.memory_space<hbm>> -> memref<256xf32, #tpu.memory_space<hbm>>
      %dma_start3A_82 = tpu.memref_slice %arg2[%mul3A_2] : memref<8192xf32, #tpu.memory_space<hbm>> -> memref<256xf32, #tpu.memory_space<hbm>>
      tpu.enqueue_dma source(%dma_start3A_82 : memref<256xf32, #tpu.memory_space<hbm>>) target(%arg9 : memref<256xf32, #tpu.memory_space<vmem>>) target_semaphore(%run_scoped3A : memref<!tpu.dma_semaphore, #tpu.memory_space<semaphore_mem>>)
      %dma_wait3A_83 = tpu.memref_slice %arg2[%mul3A_2] : memref<8192xf32, #tpu.memory_space<hbm>> -> memref<256xf32, #tpu.memory_space<hbm>>
      %dma_wait3A_84 = tpu.memref_slice %arg2[%mul3A_2] : memref<8192xf32, #tpu.memory_space<hbm>> -> memref<256xf32, #tpu.memory_space<hbm>>
      tpu.wait_dma2 semaphore(%run_scoped3A : memref<!tpu.dma_semaphore, #tpu.memory_space<semaphore_mem>>) src(%dma_wait3A_84 : memref<256xf32, #tpu.memory_space<hbm>>) dst(%arg9 : memref<256xf32, #tpu.memory_space<vmem>>)
      tpu.yield
    }) : () -> ()
    %broadcast_in_dim3A = arith.constant 0.000000e+00 : f32
    %broadcast_in_dim3A_3 = vector.broadcast %broadcast_in_dim3A : f32 to vector<16xf32>
    %iota3A = tpu.iota {dimensions = array<i32: 0>} : vector<16xi32>
    %scan3A = arith.constant 0 : i32
    %scan3A_4 = arith.constant 0 : i32
    %scan3A_5 = arith.constant 64 : i32
    %scan3A_6 = arith.addi %scan3A_4, %scan3A_5 : i32
    %scan3A_7 = arith.constant 1 : i32
    scf.for %scan3A_81 = %scan3A_4 to %scan3A_6 step %scan3A_7  : i32 {
      %mul3A_82 = arith.constant 128 : i32
      %mul3A_83 = arith.muli %scan3A_81, %mul3A_82 : i32
      %multiple_of3A_84 = tpu.assume_multiple %mul3A_83, 128 : i32
      %add3A_85 = arith.constant 0 : i32
      %add3A_86 = arith.addi %multiple_of3A_84, %add3A_85 : i32
      %swap3A = arith.constant 0 : i32
      %swap3A_87 = arith.index_cast %swap3A : i32 to index
      %swap3A_88 = arith.index_cast %add3A_86 : i32 to index
      %swap3A_89 = tpu.vector_load %arg5[%swap3A_87, %swap3A_88] {strides = array<i32>} : memref<4x8192xf32, #tpu.memory_space<vmem>>, vector<16xf32>,
      tpu.vector_store %arg5[%swap3A_87, %swap3A_88], %broadcast_in_dim3A_3 {strides = array<i32>} : memref<4x8192xf32, #tpu.memory_space<vmem>>, vector<16xf32>,
      %swap3A_90 = arith.constant 0 : i32
      %swap3A_91 = arith.index_cast %swap3A_90 : i32 to index
      %swap3A_92 = arith.index_cast %add3A_86 : i32 to index
      %swap3A_93 = tpu.vector_load %arg6[%swap3A_91, %swap3A_92] {strides = array<i32>} : memref<4x8192xf32, #tpu.memory_space<vmem>>, vector<16xf32>,
      tpu.vector_store %arg6[%swap3A_91, %swap3A_92], %broadcast_in_dim3A_3 {strides = array<i32>} : memref<4x8192xf32, #tpu.memory_space<vmem>>, vector<16xf32>,
      %swap3A_94 = arith.constant 0 : i32
      %swap3A_95 = arith.index_cast %swap3A_94 : i32 to index
      %swap3A_96 = arith.index_cast %add3A_86 : i32 to index
      %swap3A_97 = tpu.vector_load %arg7[%swap3A_95, %swap3A_96] {strides = array<i32>} : memref<4x8192xf32, #tpu.memory_space<vmem>>, vector<16xf32>,
      tpu.vector_store %arg7[%swap3A_95, %swap3A_96], %broadcast_in_dim3A_3 {strides = array<i32>} : memref<4x8192xf32, #tpu.memory_space<vmem>>, vector<16xf32>,
      %mul3A_98 = arith.constant 128 : i32
      %mul3A_99 = arith.muli %scan3A_81, %mul3A_98 : i32
      %multiple_of3A_100 = tpu.assume_multiple %mul3A_99, 128 : i32
      %add3A_101 = arith.constant 16 : i32
      %add3A_102 = arith.addi %multiple_of3A_100, %add3A_101 : i32
      %swap3A_103 = arith.constant 0 : i32
      %swap3A_104 = arith.index_cast %swap3A_103 : i32 to index
      %swap3A_105 = arith.index_cast %add3A_102 : i32 to index
      %swap3A_106 = tpu.vector_load %arg5[%swap3A_104, %swap3A_105] {strides = array<i32>} : memref<4x8192xf32, #tpu.memory_space<vmem>>, vector<16xf32>,
      tpu.vector_store %arg5[%swap3A_104, %swap3A_105], %broadcast_in_dim3A_3 {strides = array<i32>} : memref<4x8192xf32, #tpu.memory_space<vmem>>, vector<16xf32>,
      %swap3A_107 = arith.constant 0 : i32
      %swap3A_108 = arith.index_cast %swap3A_107 : i32 to index
      %swap3A_109 = arith.index_cast %add3A_102 : i32 to index
      %swap3A_110 = tpu.vector_load %arg6[%swap3A_108, %swap3A_109] {strides = array<i32>} : memref<4x8192xf32, #tpu.memory_space<vmem>>, vector<16xf32>,
      tpu.vector_store %arg6[%swap3A_108, %swap3A_109], %broadcast_in_dim3A_3 {strides = array<i32>} : memref<4x8192xf32, #tpu.memory_space<vmem>>, vector<16xf32>,
      %swap3A_111 = arith.constant 0 : i32
      %swap3A_112 = arith.index_cast %swap3A_111 : i32 to index
      %swap3A_113 = arith.index_cast %add3A_102 : i32 to index
      %swap3A_114 = tpu.vector_load %arg7[%swap3A_112, %swap3A_113] {strides = array<i32>} : memref<4x8192xf32, #tpu.memory_space<vmem>>, vector<16xf32>,
      tpu.vector_store %arg7[%swap3A_112, %swap3A_113], %broadcast_in_dim3A_3 {strides = array<i32>} : memref<4x8192xf32, #tpu.memory_space<vmem>>, vector<16xf32>,
      %mul3A_115 = arith.constant 128 : i32
      %mul3A_116 = arith.muli %scan3A_81, %mul3A_115 : i32
      %multiple_of3A_117 = tpu.assume_multiple %mul3A_116, 128 : i32
      %add3A_118 = arith.constant 32 : i32
      %add3A_119 = arith.addi %multiple_of3A_117, %add3A_118 : i32
      %swap3A_120 = arith.constant 0 : i32
      %swap3A_121 = arith.index_cast %swap3A_120 : i32 to index
      %swap3A_122 = arith.index_cast %add3A_119 : i32 to index
      %swap3A_123 = tpu.vector_load %arg5[%swap3A_121, %swap3A_122] {strides = array<i32>} : memref<4x8192xf32, #tpu.memory_space<vmem>>, vector<16xf32>,
      tpu.vector_store %arg5[%swap3A_121, %swap3A_122], %broadcast_in_dim3A_3 {strides = array<i32>} : memref<4x8192xf32, #tpu.memory_space<vmem>>, vector<16xf32>,
      %swap3A_124 = arith.constant 0 : i32
      %swap3A_125 = arith.index_cast %swap3A_124 : i32 to index
      %swap3A_126 = arith.index_cast %add3A_119 : i32 to index
      %swap3A_127 = tpu.vector_load %arg6[%swap3A_125, %swap3A_126] {strides = array<i32>} : memref<4x8192xf32, #tpu.memory_space<vmem>>, vector<16xf32>,
      tpu.vector_store %arg6[%swap3A_125, %swap3A_126], %broadcast_in_dim3A_3 {strides = array<i32>} : memref<4x8192xf32, #tpu.memory_space<vmem>>, vector<16xf32>,
      %swap3A_128 = arith.constant 0 : i32
      %swap3A_129 = arith.index_cast %swap3A_128 : i32 to index
      %swap3A_130 = arith.index_cast %add3A_119 : i32 to index
      %swap3A_131 = tpu.vector_load %arg7[%swap3A_129, %swap3A_130] {strides = array<i32>} : memref<4x8192xf32, #tpu.memory_space<vmem>>, vector<16xf32>,
      tpu.vector_store %arg7[%swap3A_129, %swap3A_130], %broadcast_in_dim3A_3 {strides = array<i32>} : memref<4x8192xf32, #tpu.memory_space<vmem>>, vector<16xf32>,
      %mul3A_132 = arith.constant 128 : i32
      %mul3A_133 = arith.muli %scan3A_81, %mul3A_132 : i32
      %multiple_of3A_134 = tpu.assume_multiple %mul3A_133, 128 : i32
      %add3A_135 = arith.constant 48 : i32
      %add3A_136 = arith.addi %multiple_of3A_134, %add3A_135 : i32
      %swap3A_137 = arith.constant 0 : i32
      %swap3A_138 = arith.index_cast %swap3A_137 : i32 to index
      %swap3A_139 = arith.index_cast %add3A_136 : i32 to index
      %swap3A_140 = tpu.vector_load %arg5[%swap3A_138, %swap3A_139] {strides = array<i32>} : memref<4x8192xf32, #tpu.memory_space<vmem>>, vector<16xf32>,
      tpu.vector_store %arg5[%swap3A_138, %swap3A_139], %broadcast_in_dim3A_3 {strides = array<i32>} : memref<4x8192xf32, #tpu.memory_space<vmem>>, vector<16xf32>,
      %swap3A_141 = arith.constant 0 : i32
      %swap3A_142 = arith.index_cast %swap3A_141 : i32 to index
      %swap3A_143 = arith.index_cast %add3A_136 : i32 to index
      %swap3A_144 = tpu.vector_load %arg6[%swap3A_142, %swap3A_143] {strides = array<i32>} : memref<4x8192xf32, #tpu.memory_space<vmem>>, vector<16xf32>,
      tpu.vector_store %arg6[%swap3A_142, %swap3A_143], %broadcast_in_dim3A_3 {strides = array<i32>} : memref<4x8192xf32, #tpu.memory_space<vmem>>, vector<16xf32>,
      %swap3A_145 = arith.constant 0 : i32
      %swap3A_146 = arith.index_cast %swap3A_145 : i32 to index
      %swap3A_147 = arith.index_cast %add3A_136 : i32 to index
      %swap3A_148 = tpu.vector_load %arg7[%swap3A_146, %swap3A_147] {strides = array<i32>} : memref<4x8192xf32, #tpu.memory_space<vmem>>, vector<16xf32>,
      tpu.vector_store %arg7[%swap3A_146, %swap3A_147], %broadcast_in_dim3A_3 {strides = array<i32>} : memref<4x8192xf32, #tpu.memory_space<vmem>>, vector<16xf32>,
      %mul3A_149 = arith.constant 128 : i32
      %mul3A_150 = arith.muli %scan3A_81, %mul3A_149 : i32
      %multiple_of3A_151 = tpu.assume_multiple %mul3A_150, 128 : i32
      %add3A_152 = arith.constant 64 : i32
      %add3A_153 = arith.addi %multiple_of3A_151, %add3A_152 : i32
      %swap3A_154 = arith.constant 0 : i32
      %swap3A_155 = arith.index_cast %swap3A_154 : i32 to index
      %swap3A_156 = arith.index_cast %add3A_153 : i32 to index
      %swap3A_157 = tpu.vector_load %arg5[%swap3A_155, %swap3A_156] {strides = array<i32>} : memref<4x8192xf32, #tpu.memory_space<vmem>>, vector<16xf32>,
      tpu.vector_store %arg5[%swap3A_155, %swap3A_156], %broadcast_in_dim3A_3 {strides = array<i32>} : memref<4x8192xf32, #tpu.memory_space<vmem>>, vector<16xf32>,
      %swap3A_158 = arith.constant 0 : i32
      %swap3A_159 = arith.index_cast %swap3A_158 : i32 to index
      %swap3A_160 = arith.index_cast %add3A_153 : i32 to index
      %swap3A_161 = tpu.vector_load %arg6[%swap3A_159, %swap3A_160] {strides = array<i32>} : memref<4x8192xf32, #tpu.memory_space<vmem>>, vector<16xf32>,
      tpu.vector_store %arg6[%swap3A_159, %swap3A_160], %broadcast_in_dim3A_3 {strides = array<i32>} : memref<4x8192xf32, #tpu.memory_space<vmem>>, vector<16xf32>,
      %swap3A_162 = arith.constant 0 : i32
      %swap3A_163 = arith.index_cast %swap3A_162 : i32 to index
      %swap3A_164 = arith.index_cast %add3A_153 : i32 to index
      %swap3A_165 = tpu.vector_load %arg7[%swap3A_163, %swap3A_164] {strides = array<i32>} : memref<4x8192xf32, #tpu.memory_space<vmem>>, vector<16xf32>,
      tpu.vector_store %arg7[%swap3A_163, %swap3A_164], %broadcast_in_dim3A_3 {strides = array<i32>} : memref<4x8192xf32, #tpu.memory_space<vmem>>, vector<16xf32>,
      %mul3A_166 = arith.constant 128 : i32
      %mul3A_167 = arith.muli %scan3A_81, %mul3A_166 : i32
      %multiple_of3A_168 = tpu.assume_multiple %mul3A_167, 128 : i32
      %add3A_169 = arith.constant 80 : i32
      %add3A_170 = arith.addi %multiple_of3A_168, %add3A_169 : i32
      %swap3A_171 = arith.constant 0 : i32
      %swap3A_172 = arith.index_cast %swap3A_171 : i32 to index
      %swap3A_173 = arith.index_cast %add3A_170 : i32 to index
      %swap3A_174 = tpu.vector_load %arg5[%swap3A_172, %swap3A_173] {strides = array<i32>} : memref<4x8192xf32, #tpu.memory_space<vmem>>, vector<16xf32>,
      tpu.vector_store %arg5[%swap3A_172, %swap3A_173], %broadcast_in_dim3A_3 {strides = array<i32>} : memref<4x8192xf32, #tpu.memory_space<vmem>>, vector<16xf32>,
      %swap3A_175 = arith.constant 0 : i32
      %swap3A_176 = arith.index_cast %swap3A_175 : i32 to index
      %swap3A_177 = arith.index_cast %add3A_170 : i32 to index
      %swap3A_178 = tpu.vector_load %arg6[%swap3A_176, %swap3A_177] {strides = array<i32>} : memref<4x8192xf32, #tpu.memory_space<vmem>>, vector<16xf32>,
      tpu.vector_store %arg6[%swap3A_176, %swap3A_177], %broadcast_in_dim3A_3 {strides = array<i32>} : memref<4x8192xf32, #tpu.memory_space<vmem>>, vector<16xf32>,
      %swap3A_179 = arith.constant 0 : i32
      %swap3A_180 = arith.index_cast %swap3A_179 : i32 to index
      %swap3A_181 = arith.index_cast %add3A_170 : i32 to index
      %swap3A_182 = tpu.vector_load %arg7[%swap3A_180, %swap3A_181] {strides = array<i32>} : memref<4x8192xf32, #tpu.memory_space<vmem>>, vector<16xf32>,
      tpu.vector_store %arg7[%swap3A_180, %swap3A_181], %broadcast_in_dim3A_3 {strides = array<i32>} : memref<4x8192xf32, #tpu.memory_space<vmem>>, vector<16xf32>,
      %mul3A_183 = arith.constant 128 : i32
      %mul3A_184 = arith.muli %scan3A_81, %mul3A_183 : i32
      %multiple_of3A_185 = tpu.assume_multiple %mul3A_184, 128 : i32
      %add3A_186 = arith.constant 96 : i32
      %add3A_187 = arith.addi %multiple_of3A_185, %add3A_186 : i32
      %swap3A_188 = arith.constant 0 : i32
      %swap3A_189 = arith.index_cast %swap3A_188 : i32 to index
      %swap3A_190 = arith.index_cast %add3A_187 : i32 to index
      %swap3A_191 = tpu.vector_load %arg5[%swap3A_189, %swap3A_190] {strides = array<i32>} : memref<4x8192xf32, #tpu.memory_space<vmem>>, vector<16xf32>,
      tpu.vector_store %arg5[%swap3A_189, %swap3A_190], %broadcast_in_dim3A_3 {strides = array<i32>} : memref<4x8192xf32, #tpu.memory_space<vmem>>, vector<16xf32>,
      %swap3A_192 = arith.constant 0 : i32
      %swap3A_193 = arith.index_cast %swap3A_192 : i32 to index
      %swap3A_194 = arith.index_cast %add3A_187 : i32 to index
      %swap3A_195 = tpu.vector_load %arg6[%swap3A_193, %swap3A_194] {strides = array<i32>} : memref<4x8192xf32, #tpu.memory_space<vmem>>, vector<16xf32>,
      tpu.vector_store %arg6[%swap3A_193, %swap3A_194], %broadcast_in_dim3A_3 {strides = array<i32>} : memref<4x8192xf32, #tpu.memory_space<vmem>>, vector<16xf32>,
      %swap3A_196 = arith.constant 0 : i32
      %swap3A_197 = arith.index_cast %swap3A_196 : i32 to index
      %swap3A_198 = arith.index_cast %add3A_187 : i32 to index
      %swap3A_199 = tpu.vector_load %arg7[%swap3A_197, %swap3A_198] {strides = array<i32>} : memref<4x8192xf32, #tpu.memory_space<vmem>>, vector<16xf32>,
      tpu.vector_store %arg7[%swap3A_197, %swap3A_198], %broadcast_in_dim3A_3 {strides = array<i32>} : memref<4x8192xf32, #tpu.memory_space<vmem>>, vector<16xf32>,
      %mul3A_200 = arith.constant 128 : i32
      %mul3A_201 = arith.muli %scan3A_81, %mul3A_200 : i32
      %multiple_of3A_202 = tpu.assume_multiple %mul3A_201, 128 : i32
      %add3A_203 = arith.constant 112 : i32
      %add3A_204 = arith.addi %multiple_of3A_202, %add3A_203 : i32
      %swap3A_205 = arith.constant 0 : i32
      %swap3A_206 = arith.index_cast %swap3A_205 : i32 to index
      %swap3A_207 = arith.index_cast %add3A_204 : i32 to index
      %swap3A_208 = tpu.vector_load %arg5[%swap3A_206, %swap3A_207] {strides = array<i32>} : memref<4x8192xf32, #tpu.memory_space<vmem>>, vector<16xf32>,
      tpu.vector_store %arg5[%swap3A_206, %swap3A_207], %broadcast_in_dim3A_3 {strides = array<i32>} : memref<4x8192xf32, #tpu.memory_space<vmem>>, vector<16xf32>,
      %swap3A_209 = arith.constant 0 : i32
      %swap3A_210 = arith.index_cast %swap3A_209 : i32 to index
      %swap3A_211 = arith.index_cast %add3A_204 : i32 to index
      %swap3A_212 = tpu.vector_load %arg6[%swap3A_210, %swap3A_211] {strides = array<i32>} : memref<4x8192xf32, #tpu.memory_space<vmem>>, vector<16xf32>,
      tpu.vector_store %arg6[%swap3A_210, %swap3A_211], %broadcast_in_dim3A_3 {strides = array<i32>} : memref<4x8192xf32, #tpu.memory_space<vmem>>, vector<16xf32>,
      %swap3A_213 = arith.constant 0 : i32
      %swap3A_214 = arith.index_cast %swap3A_213 : i32 to index
      %swap3A_215 = arith.index_cast %add3A_204 : i32 to index
      %swap3A_216 = tpu.vector_load %arg7[%swap3A_214, %swap3A_215] {strides = array<i32>} : memref<4x8192xf32, #tpu.memory_space<vmem>>, vector<16xf32>,
      tpu.vector_store %arg7[%swap3A_214, %swap3A_215], %broadcast_in_dim3A_3 {strides = array<i32>} : memref<4x8192xf32, #tpu.memory_space<vmem>>, vector<16xf32>,
      %mul3A_217 = arith.constant 128 : i32
      %mul3A_218 = arith.muli %scan3A_81, %mul3A_217 : i32
      %multiple_of3A_219 = tpu.assume_multiple %mul3A_218, 128 : i32
      %add3A_220 = arith.constant 0 : i32
      %add3A_221 = arith.addi %multiple_of3A_219, %add3A_220 : i32
      %swap3A_222 = arith.constant 1 : i32
      %swap3A_223 = arith.index_cast %swap3A_222 : i32 to index
      %swap3A_224 = arith.index_cast %add3A_221 : i32 to index
      %swap3A_225 = tpu.vector_load %arg5[%swap3A_223, %swap3A_224] {strides = array<i32>} : memref<4x8192xf32, #tpu.memory_space<vmem>>, vector<16xf32>,
      tpu.vector_store %arg5[%swap3A_223, %swap3A_224], %broadcast_in_dim3A_3 {strides = array<i32>} : memref<4x8192xf32, #tpu.memory_space<vmem>>, vector<16xf32>,
      %swap3A_226 = arith.constant 1 : i32
      %swap3A_227 = arith.index_cast %swap3A_226 : i32 to index
      %swap3A_228 = arith.index_cast %add3A_221 : i32 to index
      %swap3A_229 = tpu.vector_load %arg6[%swap3A_227, %swap3A_228] {strides = array<i32>} : memref<4x8192xf32, #tpu.memory_space<vmem>>, vector<16xf32>,
      tpu.vector_store %arg6[%swap3A_227, %swap3A_228], %broadcast_in_dim3A_3 {strides = array<i32>} : memref<4x8192xf32, #tpu.memory_space<vmem>>, vector<16xf32>,
      %swap3A_230 = arith.constant 1 : i32
      %swap3A_231 = arith.index_cast %swap3A_230 : i32 to index
      %swap3A_232 = arith.index_cast %add3A_221 : i32 to index
      %swap3A_233 = tpu.vector_load %arg7[%swap3A_231, %swap3A_232] {strides = array<i32>} : memref<4x8192xf32, #tpu.memory_space<vmem>>, vector<16xf32>,
      tpu.vector_store %arg7[%swap3A_231, %swap3A_232], %broadcast_in_dim3A_3 {strides = array<i32>} : memref<4x8192xf32, #tpu.memory_space<vmem>>, vector<16xf32>,
      %mul3A_234 = arith.constant 128 : i32
      %mul3A_235 = arith.muli %scan3A_81, %mul3A_234 : i32
      %multiple_of3A_236 = tpu.assume_multiple %mul3A_235, 128 : i32
      %add3A_237 = arith.constant 16 : i32
      %add3A_238 = arith.addi %multiple_of3A_236, %add3A_237 : i32
      %swap3A_239 = arith.constant 1 : i32
      %swap3A_240 = arith.index_cast %swap3A_239 : i32 to index
      %swap3A_241 = arith.index_cast %add3A_238 : i32 to index
      %swap3A_242 = tpu.vector_load %arg5[%swap3A_240, %swap3A_241] {strides = array<i32>} : memref<4x8192xf32, #tpu.memory_space<vmem>>, vector<16xf32>,
      tpu.vector_store %arg5[%swap3A_240, %swap3A_241], %broadcast_in_dim3A_3 {strides = array<i32>} : memref<4x8192xf32, #tpu.memory_space<vmem>>, vector<16xf32>,
      %swap3A_243 = arith.constant 1 : i32
      %swap3A_244 = arith.index_cast %swap3A_243 : i32 to index
      %swap3A_245 = arith.index_cast %add3A_238 : i32 to index
      %swap3A_246 = tpu.vector_load %arg6[%swap3A_244, %swap3A_245] {strides = array<i32>} : memref<4x8192xf32, #tpu.memory_space<vmem>>, vector<16xf32>,
      tpu.vector_store %arg6[%swap3A_244, %swap3A_245], %broadcast_in_dim3A_3 {strides = array<i32>} : memref<4x8192xf32, #tpu.memory_space<vmem>>, vector<16xf32>,
      %swap3A_247 = arith.constant 1 : i32
      %swap3A_248 = arith.index_cast %swap3A_247 : i32 to index
      %swap3A_249 = arith.index_cast %add3A_238 : i32 to index
      %swap3A_250 = tpu.vector_load %arg7[%swap3A_248, %swap3A_249] {strides = array<i32>} : memref<4x8192xf32, #tpu.memory_space<vmem>>, vector<16xf32>,
      tpu.vector_store %arg7[%swap3A_248, %swap3A_249], %broadcast_in_dim3A_3 {strides = array<i32>} : memref<4x8192xf32, #tpu.memory_space<vmem>>, vector<16xf32>,
      %mul3A_251 = arith.constant 128 : i32
      %mul3A_252 = arith.muli %scan3A_81, %mul3A_251 : i32
      %multiple_of3A_253 = tpu.assume_multiple %mul3A_252, 128 : i32
      %add3A_254 = arith.constant 32 : i32
      %add3A_255 = arith.addi %multiple_of3A_253, %add3A_254 : i32
      %swap3A_256 = arith.constant 1 : i32
      %swap3A_257 = arith.index_cast %swap3A_256 : i32 to index
      %swap3A_258 = arith.index_cast %add3A_255 : i32 to index
      %swap3A_259 = tpu.vector_load %arg5[%swap3A_257, %swap3A_258] {strides = array<i32>} : memref<4x8192xf32, #tpu.memory_space<vmem>>, vector<16xf32>,
      tpu.vector_store %arg5[%swap3A_257, %swap3A_258], %broadcast_in_dim3A_3 {strides = array<i32>} : memref<4x8192xf32, #tpu.memory_space<vmem>>, vector<16xf32>,
      %swap3A_260 = arith.constant 1 : i32
      %swap3A_261 = arith.index_cast %swap3A_260 : i32 to index
      %swap3A_262 = arith.index_cast %add3A_255 : i32 to index
      %swap3A_263 = tpu.vector_load %arg6[%swap3A_261, %swap3A_262] {strides = array<i32>} : memref<4x8192xf32, #tpu.memory_space<vmem>>, vector<16xf32>,
      tpu.vector_store %arg6[%swap3A_261, %swap3A_262], %broadcast_in_dim3A_3 {strides = array<i32>} : memref<4x8192xf32, #tpu.memory_space<vmem>>, vector<16xf32>,
      %swap3A_264 = arith.constant 1 : i32
      %swap3A_265 = arith.index_cast %swap3A_264 : i32 to index
      %swap3A_266 = arith.index_cast %add3A_255 : i32 to index
      %swap3A_267 = tpu.vector_load %arg7[%swap3A_265, %swap3A_266] {strides = array<i32>} : memref<4x8192xf32, #tpu.memory_space<vmem>>, vector<16xf32>,
      tpu.vector_store %arg7[%swap3A_265, %swap3A_266], %broadcast_in_dim3A_3 {strides = array<i32>} : memref<4x8192xf32, #tpu.memory_space<vmem>>, vector<16xf32>,
      %mul3A_268 = arith.constant 128 : i32
      %mul3A_269 = arith.muli %scan3A_81, %mul3A_268 : i32
      %multiple_of3A_270 = tpu.assume_multiple %mul3A_269, 128 : i32
      %add3A_271 = arith.constant 48 : i32
      %add3A_272 = arith.addi %multiple_of3A_270, %add3A_271 : i32
      %swap3A_273 = arith.constant 1 : i32
      %swap3A_274 = arith.index_cast %swap3A_273 : i32 to index
      %swap3A_275 = arith.index_cast %add3A_272 : i32 to index
      %swap3A_276 = tpu.vector_load %arg5[%swap3A_274, %swap3A_275] {strides = array<i32>} : memref<4x8192xf32, #tpu.memory_space<vmem>>, vector<16xf32>,
      tpu.vector_store %arg5[%swap3A_274, %swap3A_275], %broadcast_in_dim3A_3 {strides = array<i32>} : memref<4x8192xf32, #tpu.memory_space<vmem>>, vector<16xf32>,
      %swap3A_277 = arith.constant 1 : i32
      %swap3A_278 = arith.index_cast %swap3A_277 : i32 to index
      %swap3A_279 = arith.index_cast %add3A_272 : i32 to index
      %swap3A_280 = tpu.vector_load %arg6[%swap3A_278, %swap3A_279] {strides = array<i32>} : memref<4x8192xf32, #tpu.memory_space<vmem>>, vector<16xf32>,
      tpu.vector_store %arg6[%swap3A_278, %swap3A_279], %broadcast_in_dim3A_3 {strides = array<i32>} : memref<4x8192xf32, #tpu.memory_space<vmem>>, vector<16xf32>,
      %swap3A_281 = arith.constant 1 : i32
      %swap3A_282 = arith.index_cast %swap3A_281 : i32 to index
      %swap3A_283 = arith.index_cast %add3A_272 : i32 to index
      %swap3A_284 = tpu.vector_load %arg7[%swap3A_282, %swap3A_283] {strides = array<i32>} : memref<4x8192xf32, #tpu.memory_space<vmem>>, vector<16xf32>,
      tpu.vector_store %arg7[%swap3A_282, %swap3A_283], %broadcast_in_dim3A_3 {strides = array<i32>} : memref<4x8192xf32, #tpu.memory_space<vmem>>, vector<16xf32>,
      %mul3A_285 = arith.constant 128 : i32
      %mul3A_286 = arith.muli %scan3A_81, %mul3A_285 : i32
      %multiple_of3A_287 = tpu.assume_multiple %mul3A_286, 128 : i32
      %add3A_288 = arith.constant 64 : i32
      %add3A_289 = arith.addi %multiple_of3A_287, %add3A_288 : i32
      %swap3A_290 = arith.constant 1 : i32
      %swap3A_291 = arith.index_cast %swap3A_290 : i32 to index
      %swap3A_292 = arith.index_cast %add3A_289 : i32 to index
      %swap3A_293 = tpu.vector_load %arg5[%swap3A_291, %swap3A_292] {strides = array<i32>} : memref<4x8192xf32, #tpu.memory_space<vmem>>, vector<16xf32>,
      tpu.vector_store %arg5[%swap3A_291, %swap3A_292], %broadcast_in_dim3A_3 {strides = array<i32>} : memref<4x8192xf32, #tpu.memory_space<vmem>>, vector<16xf32>,
      %swap3A_294 = arith.constant 1 : i32
      %swap3A_295 = arith.index_cast %swap3A_294 : i32 to index
      %swap3A_296 = arith.index_cast %add3A_289 : i32 to index
      %swap3A_297 = tpu.vector_load %arg6[%swap3A_295, %swap3A_296] {strides = array<i32>} : memref<4x8192xf32, #tpu.memory_space<vmem>>, vector<16xf32>,
      tpu.vector_store %arg6[%swap3A_295, %swap3A_296], %broadcast_in_dim3A_3 {strides = array<i32>} : memref<4x8192xf32, #tpu.memory_space<vmem>>, vector<16xf32>,
      %swap3A_298 = arith.constant 1 : i32
      %swap3A_299 = arith.index_cast %swap3A_298 : i32 to index
      %swap3A_300 = arith.index_cast %add3A_289 : i32 to index
      %swap3A_301 = tpu.vector_load %arg7[%swap3A_299, %swap3A_300] {strides = array<i32>} : memref<4x8192xf32, #tpu.memory_space<vmem>>, vector<16xf32>,
      tpu.vector_store %arg7[%swap3A_299, %swap3A_300], %broadcast_in_dim3A_3 {strides = array<i32>} : memref<4x8192xf32, #tpu.memory_space<vmem>>, vector<16xf32>,
      %mul3A_302 = arith.constant 128 : i32
      %mul3A_303 = arith.muli %scan3A_81, %mul3A_302 : i32
      %multiple_of3A_304 = tpu.assume_multiple %mul3A_303, 128 : i32
      %add3A_305 = arith.constant 80 : i32
      %add3A_306 = arith.addi %multiple_of3A_304, %add3A_305 : i32
      %swap3A_307 = arith.constant 1 : i32
      %swap3A_308 = arith.index_cast %swap3A_307 : i32 to index
      %swap3A_309 = arith.index_cast %add3A_306 : i32 to index
      %swap3A_310 = tpu.vector_load %arg5[%swap3A_308, %swap3A_309] {strides = array<i32>} : memref<4x8192xf32, #tpu.memory_space<vmem>>, vector<16xf32>,
      tpu.vector_store %arg5[%swap3A_308, %swap3A_309], %broadcast_in_dim3A_3 {strides = array<i32>} : memref<4x8192xf32, #tpu.memory_space<vmem>>, vector<16xf32>,
      %swap3A_311 = arith.constant 1 : i32
      %swap3A_312 = arith.index_cast %swap3A_311 : i32 to index
      %swap3A_313 = arith.index_cast %add3A_306 : i32 to index
      %swap3A_314 = tpu.vector_load %arg6[%swap3A_312, %swap3A_313] {strides = array<i32>} : memref<4x8192xf32, #tpu.memory_space<vmem>>, vector<16xf32>,
      tpu.vector_store %arg6[%swap3A_312, %swap3A_313], %broadcast_in_dim3A_3 {strides = array<i32>} : memref<4x8192xf32, #tpu.memory_space<vmem>>, vector<16xf32>,
      %swap3A_315 = arith.constant 1 : i32
      %swap3A_316 = arith.index_cast %swap3A_315 : i32 to index
      %swap3A_317 = arith.index_cast %add3A_306 : i32 to index
      %swap3A_318 = tpu.vector_load %arg7[%swap3A_316, %swap3A_317] {strides = array<i32>} : memref<4x8192xf32, #tpu.memory_space<vmem>>, vector<16xf32>,
      tpu.vector_store %arg7[%swap3A_316, %swap3A_317], %broadcast_in_dim3A_3 {strides = array<i32>} : memref<4x8192xf32, #tpu.memory_space<vmem>>, vector<16xf32>,
      %mul3A_319 = arith.constant 128 : i32
      %mul3A_320 = arith.muli %scan3A_81, %mul3A_319 : i32
      %multiple_of3A_321 = tpu.assume_multiple %mul3A_320, 128 : i32
      %add3A_322 = arith.constant 96 : i32
      %add3A_323 = arith.addi %multiple_of3A_321, %add3A_322 : i32
      %swap3A_324 = arith.constant 1 : i32
      %swap3A_325 = arith.index_cast %swap3A_324 : i32 to index
      %swap3A_326 = arith.index_cast %add3A_323 : i32 to index
      %swap3A_327 = tpu.vector_load %arg5[%swap3A_325, %swap3A_326] {strides = array<i32>} : memref<4x8192xf32, #tpu.memory_space<vmem>>, vector<16xf32>,
      tpu.vector_store %arg5[%swap3A_325, %swap3A_326], %broadcast_in_dim3A_3 {strides = array<i32>} : memref<4x8192xf32, #tpu.memory_space<vmem>>, vector<16xf32>,
      %swap3A_328 = arith.constant 1 : i32
      %swap3A_329 = arith.index_cast %swap3A_328 : i32 to index
      %swap3A_330 = arith.index_cast %add3A_323 : i32 to index
      %swap3A_331 = tpu.vector_load %arg6[%swap3A_329, %swap3A_330] {strides = array<i32>} : memref<4x8192xf32, #tpu.memory_space<vmem>>, vector<16xf32>,
      tpu.vector_store %arg6[%swap3A_329, %swap3A_330], %broadcast_in_dim3A_3 {strides = array<i32>} : memref<4x8192xf32, #tpu.memory_space<vmem>>, vector<16xf32>,
      %swap3A_332 = arith.constant 1 : i32
      %swap3A_333 = arith.index_cast %swap3A_332 : i32 to index
      %swap3A_334 = arith.index_cast %add3A_323 : i32 to index
      %swap3A_335 = tpu.vector_load %arg7[%swap3A_333, %swap3A_334] {strides = array<i32>} : memref<4x8192xf32, #tpu.memory_space<vmem>>, vector<16xf32>,
      tpu.vector_store %arg7[%swap3A_333, %swap3A_334], %broadcast_in_dim3A_3 {strides = array<i32>} : memref<4x8192xf32, #tpu.memory_space<vmem>>, vector<16xf32>,
      %mul3A_336 = arith.constant 128 : i32
      %mul3A_337 = arith.muli %scan3A_81, %mul3A_336 : i32
      %multiple_of3A_338 = tpu.assume_multiple %mul3A_337, 128 : i32
      %add3A_339 = arith.constant 112 : i32
      %add3A_340 = arith.addi %multiple_of3A_338, %add3A_339 : i32
      %swap3A_341 = arith.constant 1 : i32
      %swap3A_342 = arith.index_cast %swap3A_341 : i32 to index
      %swap3A_343 = arith.index_cast %add3A_340 : i32 to index
      %swap3A_344 = tpu.vector_load %arg5[%swap3A_342, %swap3A_343] {strides = array<i32>} : memref<4x8192xf32, #tpu.memory_space<vmem>>, vector<16xf32>,
      tpu.vector_store %arg5[%swap3A_342, %swap3A_343], %broadcast_in_dim3A_3 {strides = array<i32>} : memref<4x8192xf32, #tpu.memory_space<vmem>>, vector<16xf32>,
      %swap3A_345 = arith.constant 1 : i32
      %swap3A_346 = arith.index_cast %swap3A_345 : i32 to index
      %swap3A_347 = arith.index_cast %add3A_340 : i32 to index
      %swap3A_348 = tpu.vector_load %arg6[%swap3A_346, %swap3A_347] {strides = array<i32>} : memref<4x8192xf32, #tpu.memory_space<vmem>>, vector<16xf32>,
      tpu.vector_store %arg6[%swap3A_346, %swap3A_347], %broadcast_in_dim3A_3 {strides = array<i32>} : memref<4x8192xf32, #tpu.memory_space<vmem>>, vector<16xf32>,
      %swap3A_349 = arith.constant 1 : i32
      %swap3A_350 = arith.index_cast %swap3A_349 : i32 to index
      %swap3A_351 = arith.index_cast %add3A_340 : i32 to index
      %swap3A_352 = tpu.vector_load %arg7[%swap3A_350, %swap3A_351] {strides = array<i32>} : memref<4x8192xf32, #tpu.memory_space<vmem>>, vector<16xf32>,
      tpu.vector_store %arg7[%swap3A_350, %swap3A_351], %broadcast_in_dim3A_3 {strides = array<i32>} : memref<4x8192xf32, #tpu.memory_space<vmem>>, vector<16xf32>,
      %mul3A_353 = arith.constant 128 : i32
      %mul3A_354 = arith.muli %scan3A_81, %mul3A_353 : i32
      %multiple_of3A_355 = tpu.assume_multiple %mul3A_354, 128 : i32
      %add3A_356 = arith.constant 0 : i32
      %add3A_357 = arith.addi %multiple_of3A_355, %add3A_356 : i32
      %swap3A_358 = arith.constant 2 : i32
      %swap3A_359 = arith.index_cast %swap3A_358 : i32 to index
      %swap3A_360 = arith.index_cast %add3A_357 : i32 to index
      %swap3A_361 = tpu.vector_load %arg5[%swap3A_359, %swap3A_360] {strides = array<i32>} : memref<4x8192xf32, #tpu.memory_space<vmem>>, vector<16xf32>,
      tpu.vector_store %arg5[%swap3A_359, %swap3A_360], %broadcast_in_dim3A_3 {strides = array<i32>} : memref<4x8192xf32, #tpu.memory_space<vmem>>, vector<16xf32>,
      %swap3A_362 = arith.constant 2 : i32
      %swap3A_363 = arith.index_cast %swap3A_362 : i32 to index
      %swap3A_364 = arith.index_cast %add3A_357 : i32 to index
      %swap3A_365 = tpu.vector_load %arg6[%swap3A_363, %swap3A_364] {strides = array<i32>} : memref<4x8192xf32, #tpu.memory_space<vmem>>, vector<16xf32>,
      tpu.vector_store %arg6[%swap3A_363, %swap3A_364], %broadcast_in_dim3A_3 {strides = array<i32>} : memref<4x8192xf32, #tpu.memory_space<vmem>>, vector<16xf32>,
      %swap3A_366 = arith.constant 2 : i32
      %swap3A_367 = arith.index_cast %swap3A_366 : i32 to index
      %swap3A_368 = arith.index_cast %add3A_357 : i32 to index
      %swap3A_369 = tpu.vector_load %arg7[%swap3A_367, %swap3A_368] {strides = array<i32>} : memref<4x8192xf32, #tpu.memory_space<vmem>>, vector<16xf32>,
      tpu.vector_store %arg7[%swap3A_367, %swap3A_368], %broadcast_in_dim3A_3 {strides = array<i32>} : memref<4x8192xf32, #tpu.memory_space<vmem>>, vector<16xf32>,
      %mul3A_370 = arith.constant 128 : i32
      %mul3A_371 = arith.muli %scan3A_81, %mul3A_370 : i32
      %multiple_of3A_372 = tpu.assume_multiple %mul3A_371, 128 : i32
      %add3A_373 = arith.constant 16 : i32
      %add3A_374 = arith.addi %multiple_of3A_372, %add3A_373 : i32
      %swap3A_375 = arith.constant 2 : i32
      %swap3A_376 = arith.index_cast %swap3A_375 : i32 to index
      %swap3A_377 = arith.index_cast %add3A_374 : i32 to index
      %swap3A_378 = tpu.vector_load %arg5[%swap3A_376, %swap3A_377] {strides = array<i32>} : memref<4x8192xf32, #tpu.memory_space<vmem>>, vector<16xf32>,
      tpu.vector_store %arg5[%swap3A_376, %swap3A_377], %broadcast_in_dim3A_3 {strides = array<i32>} : memref<4x8192xf32, #tpu.memory_space<vmem>>, vector<16xf32>,
      %swap3A_379 = arith.constant 2 : i32
      %swap3A_380 = arith.index_cast %swap3A_379 : i32 to index
      %swap3A_381 = arith.index_cast %add3A_374 : i32 to index
      %swap3A_382 = tpu.vector_load %arg6[%swap3A_380, %swap3A_381] {strides = array<i32>} : memref<4x8192xf32, #tpu.memory_space<vmem>>, vector<16xf32>,
      tpu.vector_store %arg6[%swap3A_380, %swap3A_381], %broadcast_in_dim3A_3 {strides = array<i32>} : memref<4x8192xf32, #tpu.memory_space<vmem>>, vector<16xf32>,
      %swap3A_383 = arith.constant 2 : i32
      %swap3A_384 = arith.index_cast %swap3A_383 : i32 to index
      %swap3A_385 = arith.index_cast %add3A_374 : i32 to index
      %swap3A_386 = tpu.vector_load %arg7[%swap3A_384, %swap3A_385] {strides = array<i32>} : memref<4x8192xf32, #tpu.memory_space<vmem>>, vector<16xf32>,
      tpu.vector_store %arg7[%swap3A_384, %swap3A_385], %broadcast_in_dim3A_3 {strides = array<i32>} : memref<4x8192xf32, #tpu.memory_space<vmem>>, vector<16xf32>,
      %mul3A_387 = arith.constant 128 : i32
      %mul3A_388 = arith.muli %scan3A_81, %mul3A_387 : i32
      %multiple_of3A_389 = tpu.assume_multiple %mul3A_388, 128 : i32
      %add3A_390 = arith.constant 32 : i32
      %add3A_391 = arith.addi %multiple_of3A_389, %add3A_390 : i32
      %swap3A_392 = arith.constant 2 : i32
      %swap3A_393 = arith.index_cast %swap3A_392 : i32 to index
      %swap3A_394 = arith.index_cast %add3A_391 : i32 to index
      %swap3A_395 = tpu.vector_load %arg5[%swap3A_393, %swap3A_394] {strides = array<i32>} : memref<4x8192xf32, #tpu.memory_space<vmem>>, vector<16xf32>,
      tpu.vector_store %arg5[%swap3A_393, %swap3A_394], %broadcast_in_dim3A_3 {strides = array<i32>} : memref<4x8192xf32, #tpu.memory_space<vmem>>, vector<16xf32>,
      %swap3A_396 = arith.constant 2 : i32
      %swap3A_397 = arith.index_cast %swap3A_396 : i32 to index
      %swap3A_398 = arith.index_cast %add3A_391 : i32 to index
      %swap3A_399 = tpu.vector_load %arg6[%swap3A_397, %swap3A_398] {strides = array<i32>} : memref<4x8192xf32, #tpu.memory_space<vmem>>, vector<16xf32>,
      tpu.vector_store %arg6[%swap3A_397, %swap3A_398], %broadcast_in_dim3A_3 {strides = array<i32>} : memref<4x8192xf32, #tpu.memory_space<vmem>>, vector<16xf32>,
      %swap3A_400 = arith.constant 2 : i32
      %swap3A_401 = arith.index_cast %swap3A_400 : i32 to index
      %swap3A_402 = arith.index_cast %add3A_391 : i32 to index
      %swap3A_403 = tpu.vector_load %arg7[%swap3A_401, %swap3A_402] {strides = array<i32>} : memref<4x8192xf32, #tpu.memory_space<vmem>>, vector<16xf32>,
      tpu.vector_store %arg7[%swap3A_401, %swap3A_402], %broadcast_in_dim3A_3 {strides = array<i32>} : memref<4x8192xf32, #tpu.memory_space<vmem>>, vector<16xf32>,
      %mul3A_404 = arith.constant 128 : i32
      %mul3A_405 = arith.muli %scan3A_81, %mul3A_404 : i32
      %multiple_of3A_406 = tpu.assume_multiple %mul3A_405, 128 : i32
      %add3A_407 = arith.constant 48 : i32
      %add3A_408 = arith.addi %multiple_of3A_406, %add3A_407 : i32
      %swap3A_409 = arith.constant 2 : i32
      %swap3A_410 = arith.index_cast %swap3A_409 : i32 to index
      %swap3A_411 = arith.index_cast %add3A_408 : i32 to index
      %swap3A_412 = tpu.vector_load %arg5[%swap3A_410, %swap3A_411] {strides = array<i32>} : memref<4x8192xf32, #tpu.memory_space<vmem>>, vector<16xf32>,
      tpu.vector_store %arg5[%swap3A_410, %swap3A_411], %broadcast_in_dim3A_3 {strides = array<i32>} : memref<4x8192xf32, #tpu.memory_space<vmem>>, vector<16xf32>,
      %swap3A_413 = arith.constant 2 : i32
      %swap3A_414 = arith.index_cast %swap3A_413 : i32 to index
      %swap3A_415 = arith.index_cast %add3A_408 : i32 to index
      %swap3A_416 = tpu.vector_load %arg6[%swap3A_414, %swap3A_415] {strides = array<i32>} : memref<4x8192xf32, #tpu.memory_space<vmem>>, vector<16xf32>,
      tpu.vector_store %arg6[%swap3A_414, %swap3A_415], %broadcast_in_dim3A_3 {strides = array<i32>} : memref<4x8192xf32, #tpu.memory_space<vmem>>, vector<16xf32>,
      %swap3A_417 = arith.constant 2 : i32
      %swap3A_418 = arith.index_cast %swap3A_417 : i32 to index
      %swap3A_419 = arith.index_cast %add3A_408 : i32 to index
      %swap3A_420 = tpu.vector_load %arg7[%swap3A_418, %swap3A_419] {strides = array<i32>} : memref<4x8192xf32, #tpu.memory_space<vmem>>, vector<16xf32>,
      tpu.vector_store %arg7[%swap3A_418, %swap3A_419], %broadcast_in_dim3A_3 {strides = array<i32>} : memref<4x8192xf32, #tpu.memory_space<vmem>>, vector<16xf32>,
      %mul3A_421 = arith.constant 128 : i32
      %mul3A_422 = arith.muli %scan3A_81, %mul3A_421 : i32
      %multiple_of3A_423 = tpu.assume_multiple %mul3A_422, 128 : i32
      %add3A_424 = arith.constant 64 : i32
      %add3A_425 = arith.addi %multiple_of3A_423, %add3A_424 : i32
      %swap3A_426 = arith.constant 2 : i32
      %swap3A_427 = arith.index_cast %swap3A_426 : i32 to index
      %swap3A_428 = arith.index_cast %add3A_425 : i32 to index
      %swap3A_429 = tpu.vector_load %arg5[%swap3A_427, %swap3A_428] {strides = array<i32>} : memref<4x8192xf32, #tpu.memory_space<vmem>>, vector<16xf32>,
      tpu.vector_store %arg5[%swap3A_427, %swap3A_428], %broadcast_in_dim3A_3 {strides = array<i32>} : memref<4x8192xf32, #tpu.memory_space<vmem>>, vector<16xf32>,
      %swap3A_430 = arith.constant 2 : i32
      %swap3A_431 = arith.index_cast %swap3A_430 : i32 to index
      %swap3A_432 = arith.index_cast %add3A_425 : i32 to index
      %swap3A_433 = tpu.vector_load %arg6[%swap3A_431, %swap3A_432] {strides = array<i32>} : memref<4x8192xf32, #tpu.memory_space<vmem>>, vector<16xf32>,
      tpu.vector_store %arg6[%swap3A_431, %swap3A_432], %broadcast_in_dim3A_3 {strides = array<i32>} : memref<4x8192xf32, #tpu.memory_space<vmem>>, vector<16xf32>,
      %swap3A_434 = arith.constant 2 : i32
      %swap3A_435 = arith.index_cast %swap3A_434 : i32 to index
      %swap3A_436 = arith.index_cast %add3A_425 : i32 to index
      %swap3A_437 = tpu.vector_load %arg7[%swap3A_435, %swap3A_436] {strides = array<i32>} : memref<4x8192xf32, #tpu.memory_space<vmem>>, vector<16xf32>,
      tpu.vector_store %arg7[%swap3A_435, %swap3A_436], %broadcast_in_dim3A_3 {strides = array<i32>} : memref<4x8192xf32, #tpu.memory_space<vmem>>, vector<16xf32>,
      %mul3A_438 = arith.constant 128 : i32
      %mul3A_439 = arith.muli %scan3A_81, %mul3A_438 : i32
      %multiple_of3A_440 = tpu.assume_multiple %mul3A_439, 128 : i32
      %add3A_441 = arith.constant 80 : i32
      %add3A_442 = arith.addi %multiple_of3A_440, %add3A_441 : i32
      %swap3A_443 = arith.constant 2 : i32
      %swap3A_444 = arith.index_cast %swap3A_443 : i32 to index
      %swap3A_445 = arith.index_cast %add3A_442 : i32 to index
      %swap3A_446 = tpu.vector_load %arg5[%swap3A_444, %swap3A_445] {strides = array<i32>} : memref<4x8192xf32, #tpu.memory_space<vmem>>, vector<16xf32>,
      tpu.vector_store %arg5[%swap3A_444, %swap3A_445], %broadcast_in_dim3A_3 {strides = array<i32>} : memref<4x8192xf32, #tpu.memory_space<vmem>>, vector<16xf32>,
      %swap3A_447 = arith.constant 2 : i32
      %swap3A_448 = arith.index_cast %swap3A_447 : i32 to index
      %swap3A_449 = arith.index_cast %add3A_442 : i32 to index
      %swap3A_450 = tpu.vector_load %arg6[%swap3A_448, %swap3A_449] {strides = array<i32>} : memref<4x8192xf32, #tpu.memory_space<vmem>>, vector<16xf32>,
      tpu.vector_store %arg6[%swap3A_448, %swap3A_449], %broadcast_in_dim3A_3 {strides = array<i32>} : memref<4x8192xf32, #tpu.memory_space<vmem>>, vector<16xf32>,
      %swap3A_451 = arith.constant 2 : i32
      %swap3A_452 = arith.index_cast %swap3A_451 : i32 to index
      %swap3A_453 = arith.index_cast %add3A_442 : i32 to index
      %swap3A_454 = tpu.vector_load %arg7[%swap3A_452, %swap3A_453] {strides = array<i32>} : memref<4x8192xf32, #tpu.memory_space<vmem>>, vector<16xf32>,
      tpu.vector_store %arg7[%swap3A_452, %swap3A_453], %broadcast_in_dim3A_3 {strides = array<i32>} : memref<4x8192xf32, #tpu.memory_space<vmem>>, vector<16xf32>,
      %mul3A_455 = arith.constant 128 : i32
      %mul3A_456 = arith.muli %scan3A_81, %mul3A_455 : i32
      %multiple_of3A_457 = tpu.assume_multiple %mul3A_456, 128 : i32
      %add3A_458 = arith.constant 96 : i32
      %add3A_459 = arith.addi %multiple_of3A_457, %add3A_458 : i32
      %swap3A_460 = arith.constant 2 : i32
      %swap3A_461 = arith.index_cast %swap3A_460 : i32 to index
      %swap3A_462 = arith.index_cast %add3A_459 : i32 to index
      %swap3A_463 = tpu.vector_load %arg5[%swap3A_461, %swap3A_462] {strides = array<i32>} : memref<4x8192xf32, #tpu.memory_space<vmem>>, vector<16xf32>,
      tpu.vector_store %arg5[%swap3A_461, %swap3A_462], %broadcast_in_dim3A_3 {strides = array<i32>} : memref<4x8192xf32, #tpu.memory_space<vmem>>, vector<16xf32>,
      %swap3A_464 = arith.constant 2 : i32
      %swap3A_465 = arith.index_cast %swap3A_464 : i32 to index
      %swap3A_466 = arith.index_cast %add3A_459 : i32 to index
      %swap3A_467 = tpu.vector_load %arg6[%swap3A_465, %swap3A_466] {strides = array<i32>} : memref<4x8192xf32, #tpu.memory_space<vmem>>, vector<16xf32>,
      tpu.vector_store %arg6[%swap3A_465, %swap3A_466], %broadcast_in_dim3A_3 {strides = array<i32>} : memref<4x8192xf32, #tpu.memory_space<vmem>>, vector<16xf32>,
      %swap3A_468 = arith.constant 2 : i32
      %swap3A_469 = arith.index_cast %swap3A_468 : i32 to index
      %swap3A_470 = arith.index_cast %add3A_459 : i32 to index
      %swap3A_471 = tpu.vector_load %arg7[%swap3A_469, %swap3A_470] {strides = array<i32>} : memref<4x8192xf32, #tpu.memory_space<vmem>>, vector<16xf32>,
      tpu.vector_store %arg7[%swap3A_469, %swap3A_470], %broadcast_in_dim3A_3 {strides = array<i32>} : memref<4x8192xf32, #tpu.memory_space<vmem>>, vector<16xf32>,
      %mul3A_472 = arith.constant 128 : i32
      %mul3A_473 = arith.muli %scan3A_81, %mul3A_472 : i32
      %multiple_of3A_474 = tpu.assume_multiple %mul3A_473, 128 : i32
      %add3A_475 = arith.constant 112 : i32
      %add3A_476 = arith.addi %multiple_of3A_474, %add3A_475 : i32
      %swap3A_477 = arith.constant 2 : i32
      %swap3A_478 = arith.index_cast %swap3A_477 : i32 to index
      %swap3A_479 = arith.index_cast %add3A_476 : i32 to index
      %swap3A_480 = tpu.vector_load %arg5[%swap3A_478, %swap3A_479] {strides = array<i32>} : memref<4x8192xf32, #tpu.memory_space<vmem>>, vector<16xf32>,
      tpu.vector_store %arg5[%swap3A_478, %swap3A_479], %broadcast_in_dim3A_3 {strides = array<i32>} : memref<4x8192xf32, #tpu.memory_space<vmem>>, vector<16xf32>,
      %swap3A_481 = arith.constant 2 : i32
      %swap3A_482 = arith.index_cast %swap3A_481 : i32 to index
      %swap3A_483 = arith.index_cast %add3A_476 : i32 to index
      %swap3A_484 = tpu.vector_load %arg6[%swap3A_482, %swap3A_483] {strides = array<i32>} : memref<4x8192xf32, #tpu.memory_space<vmem>>, vector<16xf32>,
      tpu.vector_store %arg6[%swap3A_482, %swap3A_483], %broadcast_in_dim3A_3 {strides = array<i32>} : memref<4x8192xf32, #tpu.memory_space<vmem>>, vector<16xf32>,
      %swap3A_485 = arith.constant 2 : i32
      %swap3A_486 = arith.index_cast %swap3A_485 : i32 to index
      %swap3A_487 = arith.index_cast %add3A_476 : i32 to index
      %swap3A_488 = tpu.vector_load %arg7[%swap3A_486, %swap3A_487] {strides = array<i32>} : memref<4x8192xf32, #tpu.memory_space<vmem>>, vector<16xf32>,
      tpu.vector_store %arg7[%swap3A_486, %swap3A_487], %broadcast_in_dim3A_3 {strides = array<i32>} : memref<4x8192xf32, #tpu.memory_space<vmem>>, vector<16xf32>,
      %mul3A_489 = arith.constant 128 : i32
      %mul3A_490 = arith.muli %scan3A_81, %mul3A_489 : i32
      %multiple_of3A_491 = tpu.assume_multiple %mul3A_490, 128 : i32
      %add3A_492 = arith.constant 0 : i32
      %add3A_493 = arith.addi %multiple_of3A_491, %add3A_492 : i32
      %swap3A_494 = arith.constant 3 : i32
      %swap3A_495 = arith.index_cast %swap3A_494 : i32 to index
      %swap3A_496 = arith.index_cast %add3A_493 : i32 to index
      %swap3A_497 = tpu.vector_load %arg5[%swap3A_495, %swap3A_496] {strides = array<i32>} : memref<4x8192xf32, #tpu.memory_space<vmem>>, vector<16xf32>,
      tpu.vector_store %arg5[%swap3A_495, %swap3A_496], %broadcast_in_dim3A_3 {strides = array<i32>} : memref<4x8192xf32, #tpu.memory_space<vmem>>, vector<16xf32>,
      %swap3A_498 = arith.constant 3 : i32
      %swap3A_499 = arith.index_cast %swap3A_498 : i32 to index
      %swap3A_500 = arith.index_cast %add3A_493 : i32 to index
      %swap3A_501 = tpu.vector_load %arg6[%swap3A_499, %swap3A_500] {strides = array<i32>} : memref<4x8192xf32, #tpu.memory_space<vmem>>, vector<16xf32>,
      tpu.vector_store %arg6[%swap3A_499, %swap3A_500], %broadcast_in_dim3A_3 {strides = array<i32>} : memref<4x8192xf32, #tpu.memory_space<vmem>>, vector<16xf32>,
      %swap3A_502 = arith.constant 3 : i32
      %swap3A_503 = arith.index_cast %swap3A_502 : i32 to index
      %swap3A_504 = arith.index_cast %add3A_493 : i32 to index
      %swap3A_505 = tpu.vector_load %arg7[%swap3A_503, %swap3A_504] {strides = array<i32>} : memref<4x8192xf32, #tpu.memory_space<vmem>>, vector<16xf32>,
      tpu.vector_store %arg7[%swap3A_503, %swap3A_504], %broadcast_in_dim3A_3 {strides = array<i32>} : memref<4x8192xf32, #tpu.memory_space<vmem>>, vector<16xf32>,
      %mul3A_506 = arith.constant 128 : i32
      %mul3A_507 = arith.muli %scan3A_81, %mul3A_506 : i32
      %multiple_of3A_508 = tpu.assume_multiple %mul3A_507, 128 : i32
      %add3A_509 = arith.constant 16 : i32
      %add3A_510 = arith.addi %multiple_of3A_508, %add3A_509 : i32
      %swap3A_511 = arith.constant 3 : i32
      %swap3A_512 = arith.index_cast %swap3A_511 : i32 to index
      %swap3A_513 = arith.index_cast %add3A_510 : i32 to index
      %swap3A_514 = tpu.vector_load %arg5[%swap3A_512, %swap3A_513] {strides = array<i32>} : memref<4x8192xf32, #tpu.memory_space<vmem>>, vector<16xf32>,
      tpu.vector_store %arg5[%swap3A_512, %swap3A_513], %broadcast_in_dim3A_3 {strides = array<i32>} : memref<4x8192xf32, #tpu.memory_space<vmem>>, vector<16xf32>,
      %swap3A_515 = arith.constant 3 : i32
      %swap3A_516 = arith.index_cast %swap3A_515 : i32 to index
      %swap3A_517 = arith.index_cast %add3A_510 : i32 to index
      %swap3A_518 = tpu.vector_load %arg6[%swap3A_516, %swap3A_517] {strides = array<i32>} : memref<4x8192xf32, #tpu.memory_space<vmem>>, vector<16xf32>,
      tpu.vector_store %arg6[%swap3A_516, %swap3A_517], %broadcast_in_dim3A_3 {strides = array<i32>} : memref<4x8192xf32, #tpu.memory_space<vmem>>, vector<16xf32>,
      %swap3A_519 = arith.constant 3 : i32
      %swap3A_520 = arith.index_cast %swap3A_519 : i32 to index
      %swap3A_521 = arith.index_cast %add3A_510 : i32 to index
      %swap3A_522 = tpu.vector_load %arg7[%swap3A_520, %swap3A_521] {strides = array<i32>} : memref<4x8192xf32, #tpu.memory_space<vmem>>, vector<16xf32>,
      tpu.vector_store %arg7[%swap3A_520, %swap3A_521], %broadcast_in_dim3A_3 {strides = array<i32>} : memref<4x8192xf32, #tpu.memory_space<vmem>>, vector<16xf32>,
      %mul3A_523 = arith.constant 128 : i32
      %mul3A_524 = arith.muli %scan3A_81, %mul3A_523 : i32
      %multiple_of3A_525 = tpu.assume_multiple %mul3A_524, 128 : i32
      %add3A_526 = arith.constant 32 : i32
      %add3A_527 = arith.addi %multiple_of3A_525, %add3A_526 : i32
      %swap3A_528 = arith.constant 3 : i32
      %swap3A_529 = arith.index_cast %swap3A_528 : i32 to index
      %swap3A_530 = arith.index_cast %add3A_527 : i32 to index
      %swap3A_531 = tpu.vector_load %arg5[%swap3A_529, %swap3A_530] {strides = array<i32>} : memref<4x8192xf32, #tpu.memory_space<vmem>>, vector<16xf32>,
      tpu.vector_store %arg5[%swap3A_529, %swap3A_530], %broadcast_in_dim3A_3 {strides = array<i32>} : memref<4x8192xf32, #tpu.memory_space<vmem>>, vector<16xf32>,
      %swap3A_532 = arith.constant 3 : i32
      %swap3A_533 = arith.index_cast %swap3A_532 : i32 to index
      %swap3A_534 = arith.index_cast %add3A_527 : i32 to index
      %swap3A_535 = tpu.vector_load %arg6[%swap3A_533, %swap3A_534] {strides = array<i32>} : memref<4x8192xf32, #tpu.memory_space<vmem>>, vector<16xf32>,
      tpu.vector_store %arg6[%swap3A_533, %swap3A_534], %broadcast_in_dim3A_3 {strides = array<i32>} : memref<4x8192xf32, #tpu.memory_space<vmem>>, vector<16xf32>,
      %swap3A_536 = arith.constant 3 : i32
      %swap3A_537 = arith.index_cast %swap3A_536 : i32 to index
      %swap3A_538 = arith.index_cast %add3A_527 : i32 to index
      %swap3A_539 = tpu.vector_load %arg7[%swap3A_537, %swap3A_538] {strides = array<i32>} : memref<4x8192xf32, #tpu.memory_space<vmem>>, vector<16xf32>,
      tpu.vector_store %arg7[%swap3A_537, %swap3A_538], %broadcast_in_dim3A_3 {strides = array<i32>} : memref<4x8192xf32, #tpu.memory_space<vmem>>, vector<16xf32>,
      %mul3A_540 = arith.constant 128 : i32
      %mul3A_541 = arith.muli %scan3A_81, %mul3A_540 : i32
      %multiple_of3A_542 = tpu.assume_multiple %mul3A_541, 128 : i32
      %add3A_543 = arith.constant 48 : i32
      %add3A_544 = arith.addi %multiple_of3A_542, %add3A_543 : i32
      %swap3A_545 = arith.constant 3 : i32
      %swap3A_546 = arith.index_cast %swap3A_545 : i32 to index
      %swap3A_547 = arith.index_cast %add3A_544 : i32 to index
      %swap3A_548 = tpu.vector_load %arg5[%swap3A_546, %swap3A_547] {strides = array<i32>} : memref<4x8192xf32, #tpu.memory_space<vmem>>, vector<16xf32>,
      tpu.vector_store %arg5[%swap3A_546, %swap3A_547], %broadcast_in_dim3A_3 {strides = array<i32>} : memref<4x8192xf32, #tpu.memory_space<vmem>>, vector<16xf32>,
      %swap3A_549 = arith.constant 3 : i32
      %swap3A_550 = arith.index_cast %swap3A_549 : i32 to index
      %swap3A_551 = arith.index_cast %add3A_544 : i32 to index
      %swap3A_552 = tpu.vector_load %arg6[%swap3A_550, %swap3A_551] {strides = array<i32>} : memref<4x8192xf32, #tpu.memory_space<vmem>>, vector<16xf32>,
      tpu.vector_store %arg6[%swap3A_550, %swap3A_551], %broadcast_in_dim3A_3 {strides = array<i32>} : memref<4x8192xf32, #tpu.memory_space<vmem>>, vector<16xf32>,
      %swap3A_553 = arith.constant 3 : i32
      %swap3A_554 = arith.index_cast %swap3A_553 : i32 to index
      %swap3A_555 = arith.index_cast %add3A_544 : i32 to index
      %swap3A_556 = tpu.vector_load %arg7[%swap3A_554, %swap3A_555] {strides = array<i32>} : memref<4x8192xf32, #tpu.memory_space<vmem>>, vector<16xf32>,
      tpu.vector_store %arg7[%swap3A_554, %swap3A_555], %broadcast_in_dim3A_3 {strides = array<i32>} : memref<4x8192xf32, #tpu.memory_space<vmem>>, vector<16xf32>,
      %mul3A_557 = arith.constant 128 : i32
      %mul3A_558 = arith.muli %scan3A_81, %mul3A_557 : i32
      %multiple_of3A_559 = tpu.assume_multiple %mul3A_558, 128 : i32
      %add3A_560 = arith.constant 64 : i32
      %add3A_561 = arith.addi %multiple_of3A_559, %add3A_560 : i32
      %swap3A_562 = arith.constant 3 : i32
      %swap3A_563 = arith.index_cast %swap3A_562 : i32 to index
      %swap3A_564 = arith.index_cast %add3A_561 : i32 to index
      %swap3A_565 = tpu.vector_load %arg5[%swap3A_563, %swap3A_564] {strides = array<i32>} : memref<4x8192xf32, #tpu.memory_space<vmem>>, vector<16xf32>,
      tpu.vector_store %arg5[%swap3A_563, %swap3A_564], %broadcast_in_dim3A_3 {strides = array<i32>} : memref<4x8192xf32, #tpu.memory_space<vmem>>, vector<16xf32>,
      %swap3A_566 = arith.constant 3 : i32
      %swap3A_567 = arith.index_cast %swap3A_566 : i32 to index
      %swap3A_568 = arith.index_cast %add3A_561 : i32 to index
      %swap3A_569 = tpu.vector_load %arg6[%swap3A_567, %swap3A_568] {strides = array<i32>} : memref<4x8192xf32, #tpu.memory_space<vmem>>, vector<16xf32>,
      tpu.vector_store %arg6[%swap3A_567, %swap3A_568], %broadcast_in_dim3A_3 {strides = array<i32>} : memref<4x8192xf32, #tpu.memory_space<vmem>>, vector<16xf32>,
      %swap3A_570 = arith.constant 3 : i32
      %swap3A_571 = arith.index_cast %swap3A_570 : i32 to index
      %swap3A_572 = arith.index_cast %add3A_561 : i32 to index
      %swap3A_573 = tpu.vector_load %arg7[%swap3A_571, %swap3A_572] {strides = array<i32>} : memref<4x8192xf32, #tpu.memory_space<vmem>>, vector<16xf32>,
      tpu.vector_store %arg7[%swap3A_571, %swap3A_572], %broadcast_in_dim3A_3 {strides = array<i32>} : memref<4x8192xf32, #tpu.memory_space<vmem>>, vector<16xf32>,
      %mul3A_574 = arith.constant 128 : i32
      %mul3A_575 = arith.muli %scan3A_81, %mul3A_574 : i32
      %multiple_of3A_576 = tpu.assume_multiple %mul3A_575, 128 : i32
      %add3A_577 = arith.constant 80 : i32
      %add3A_578 = arith.addi %multiple_of3A_576, %add3A_577 : i32
      %swap3A_579 = arith.constant 3 : i32
      %swap3A_580 = arith.index_cast %swap3A_579 : i32 to index
      %swap3A_581 = arith.index_cast %add3A_578 : i32 to index
      %swap3A_582 = tpu.vector_load %arg5[%swap3A_580, %swap3A_581] {strides = array<i32>} : memref<4x8192xf32, #tpu.memory_space<vmem>>, vector<16xf32>,
      tpu.vector_store %arg5[%swap3A_580, %swap3A_581], %broadcast_in_dim3A_3 {strides = array<i32>} : memref<4x8192xf32, #tpu.memory_space<vmem>>, vector<16xf32>,
      %swap3A_583 = arith.constant 3 : i32
      %swap3A_584 = arith.index_cast %swap3A_583 : i32 to index
      %swap3A_585 = arith.index_cast %add3A_578 : i32 to index
      %swap3A_586 = tpu.vector_load %arg6[%swap3A_584, %swap3A_585] {strides = array<i32>} : memref<4x8192xf32, #tpu.memory_space<vmem>>, vector<16xf32>,
      tpu.vector_store %arg6[%swap3A_584, %swap3A_585], %broadcast_in_dim3A_3 {strides = array<i32>} : memref<4x8192xf32, #tpu.memory_space<vmem>>, vector<16xf32>,
      %swap3A_587 = arith.constant 3 : i32
      %swap3A_588 = arith.index_cast %swap3A_587 : i32 to index
      %swap3A_589 = arith.index_cast %add3A_578 : i32 to index
      %swap3A_590 = tpu.vector_load %arg7[%swap3A_588, %swap3A_589] {strides = array<i32>} : memref<4x8192xf32, #tpu.memory_space<vmem>>, vector<16xf32>,
      tpu.vector_store %arg7[%swap3A_588, %swap3A_589], %broadcast_in_dim3A_3 {strides = array<i32>} : memref<4x8192xf32, #tpu.memory_space<vmem>>, vector<16xf32>,
      %mul3A_591 = arith.constant 128 : i32
      %mul3A_592 = arith.muli %scan3A_81, %mul3A_591 : i32
      %multiple_of3A_593 = tpu.assume_multiple %mul3A_592, 128 : i32
      %add3A_594 = arith.constant 96 : i32
      %add3A_595 = arith.addi %multiple_of3A_593, %add3A_594 : i32
      %swap3A_596 = arith.constant 3 : i32
      %swap3A_597 = arith.index_cast %swap3A_596 : i32 to index
      %swap3A_598 = arith.index_cast %add3A_595 : i32 to index
      %swap3A_599 = tpu.vector_load %arg5[%swap3A_597, %swap3A_598] {strides = array<i32>} : memref<4x8192xf32, #tpu.memory_space<vmem>>, vector<16xf32>,
      tpu.vector_store %arg5[%swap3A_597, %swap3A_598], %broadcast_in_dim3A_3 {strides = array<i32>} : memref<4x8192xf32, #tpu.memory_space<vmem>>, vector<16xf32>,
      %swap3A_600 = arith.constant 3 : i32
      %swap3A_601 = arith.index_cast %swap3A_600 : i32 to index
      %swap3A_602 = arith.index_cast %add3A_595 : i32 to index
      %swap3A_603 = tpu.vector_load %arg6[%swap3A_601, %swap3A_602] {strides = array<i32>} : memref<4x8192xf32, #tpu.memory_space<vmem>>, vector<16xf32>,
      tpu.vector_store %arg6[%swap3A_601, %swap3A_602], %broadcast_in_dim3A_3 {strides = array<i32>} : memref<4x8192xf32, #tpu.memory_space<vmem>>, vector<16xf32>,
      %swap3A_604 = arith.constant 3 : i32
      %swap3A_605 = arith.index_cast %swap3A_604 : i32 to index
      %swap3A_606 = arith.index_cast %add3A_595 : i32 to index
      %swap3A_607 = tpu.vector_load %arg7[%swap3A_605, %swap3A_606] {strides = array<i32>} : memref<4x8192xf32, #tpu.memory_space<vmem>>, vector<16xf32>,
      tpu.vector_store %arg7[%swap3A_605, %swap3A_606], %broadcast_in_dim3A_3 {strides = array<i32>} : memref<4x8192xf32, #tpu.memory_space<vmem>>, vector<16xf32>,
      %mul3A_608 = arith.constant 128 : i32
      %mul3A_609 = arith.muli %scan3A_81, %mul3A_608 : i32
      %multiple_of3A_610 = tpu.assume_multiple %mul3A_609, 128 : i32
      %add3A_611 = arith.constant 112 : i32
      %add3A_612 = arith.addi %multiple_of3A_610, %add3A_611 : i32
      %swap3A_613 = arith.constant 3 : i32
      %swap3A_614 = arith.index_cast %swap3A_613 : i32 to index
      %swap3A_615 = arith.index_cast %add3A_612 : i32 to index
      %swap3A_616 = tpu.vector_load %arg5[%swap3A_614, %swap3A_615] {strides = array<i32>} : memref<4x8192xf32, #tpu.memory_space<vmem>>, vector<16xf32>,
      tpu.vector_store %arg5[%swap3A_614, %swap3A_615], %broadcast_in_dim3A_3 {strides = array<i32>} : memref<4x8192xf32, #tpu.memory_space<vmem>>, vector<16xf32>,
      %swap3A_617 = arith.constant 3 : i32
      %swap3A_618 = arith.index_cast %swap3A_617 : i32 to index
      %swap3A_619 = arith.index_cast %add3A_612 : i32 to index
      %swap3A_620 = tpu.vector_load %arg6[%swap3A_618, %swap3A_619] {strides = array<i32>} : memref<4x8192xf32, #tpu.memory_space<vmem>>, vector<16xf32>,
      tpu.vector_store %arg6[%swap3A_618, %swap3A_619], %broadcast_in_dim3A_3 {strides = array<i32>} : memref<4x8192xf32, #tpu.memory_space<vmem>>, vector<16xf32>,
      %swap3A_621 = arith.constant 3 : i32
      %swap3A_622 = arith.index_cast %swap3A_621 : i32 to index
      %swap3A_623 = arith.index_cast %add3A_612 : i32 to index
      %swap3A_624 = tpu.vector_load %arg7[%swap3A_622, %swap3A_623] {strides = array<i32>} : memref<4x8192xf32, #tpu.memory_space<vmem>>, vector<16xf32>,
      tpu.vector_store %arg7[%swap3A_622, %swap3A_623], %broadcast_in_dim3A_3 {strides = array<i32>} : memref<4x8192xf32, #tpu.memory_space<vmem>>, vector<16xf32>,
    }
    %scan3A_8 = arith.constant 64 : i32
    %scan3A_9 = arith.constant 0 : i32
    %scan3A_10 = arith.constant 0 : i32
    %scan3A_11 = arith.constant 21 : i32
    %scan3A_12 = arith.addi %scan3A_10, %scan3A_11 : i32
    %scan3A_13 = arith.constant 1 : i32
    scf.for %scan3A_81 = %scan3A_10 to %scan3A_12 step %scan3A_13  : i32 {
      %mul3A_82 = arith.constant 3 : i32
      %mul3A_83 = arith.muli %mul3A_82, %scan3A_81 : i32
      %ge3A_84 = arith.constant 3 : i32
      %ge3A_85 = arith.cmpi sge, %mul3A_83, %ge3A_84 : i32
      %convert_element_type3A = arith.extui %ge3A_85 : i1 to i32
      %cond3A = arith.constant 0 : i32
      %cond3A_86 = arith.cmpi ne, %convert_element_type3A, %cond3A : i32
      scf.if %cond3A_86 {
        %sub3A_334 = arith.constant 3 : i32
        %sub3A_335 = arith.subi %mul3A_83, %sub3A_334 : i32
        %mul3A_336 = arith.constant 4 : i32
        %mul3A_337 = arith.muli %sub3A_335, %mul3A_336 : i32
        %add3A_338 = arith.addi %mul3A_2, %mul3A_337 : i32
        %multiple_of3A_339 = tpu.assume_multiple %add3A_338, 4 : i32
        %dma_wait3A_340 = arith.constant 0 : i32
        %dma_wait3A_341 = tpu.memref_slice %arg4[%multiple_of3A_339, %dma_wait3A_340] : memref<8192x8192xf32, #tpu.memory_space<hbm>> -> memref<4x8192xf32, #tpu.memory_space<hbm>>
        %dma_wait3A_342 = arith.constant 0 : i32
        %dma_wait3A_343 = tpu.memref_slice %arg4[%multiple_of3A_339, %dma_wait3A_342] : memref<8192x8192xf32, #tpu.memory_space<hbm>> -> memref<4x8192xf32, #tpu.memory_space<hbm>>
        tpu.wait_dma2 semaphore(%arg10 : memref<!tpu.dma_semaphore, #tpu.memory_space<semaphore_mem>>) src(%arg5 : memref<4x8192xf32, #tpu.memory_space<vmem>>) dst(%dma_wait3A_343 : memref<4x8192xf32, #tpu.memory_space<hbm>>)
        %sub3A_344 = arith.constant 3 : i32
        %sub3A_345 = arith.subi %mul3A_83, %sub3A_344 : i32
        %jit3A_346 = arith.constant 4 : i32
        %div3A_347 = arith.divsi %sub3A_345, %jit3A_346 : i32
        %sign3A_348 = arith.constant 0 : i32
        %sign3A_349 = arith.cmpi sgt, %sub3A_345, %sign3A_348 : i32
        %sign3A_350 = arith.extui %sign3A_349 : i1 to i32
        %sign3A_351 = arith.constant 0 : i32
        %sign3A_352 = arith.cmpi slt, %sub3A_345, %sign3A_351 : i32
        %sign3A_353 = arith.extui %sign3A_352 : i1 to i32
        %sign3A_354 = arith.subi %sign3A_350, %sign3A_353 : i32
        %sign3A_355 = arith.constant 0 : i32
        %sign3A_356 = arith.cmpi sgt, %jit3A_346, %sign3A_355 : i32
        %sign3A_357 = arith.extui %sign3A_356 : i1 to i32
        %sign3A_358 = arith.constant 0 : i32
        %sign3A_359 = arith.cmpi slt, %jit3A_346, %sign3A_358 : i32
        %sign3A_360 = arith.extui %sign3A_359 : i1 to i32
        %sign3A_361 = arith.subi %sign3A_357, %sign3A_360 : i32
        %ne3A_362 = arith.cmpi ne, %sign3A_354, %sign3A_361 : i32
        %rem3A_363 = arith.remsi %sub3A_345, %jit3A_346 : i32
        %ne3A_364 = arith.constant 0 : i32
        %ne3A_365 = arith.cmpi ne, %rem3A_363, %ne3A_364 : i32
        %and3A_366 = arith.andi %ne3A_362, %ne3A_365 : i1
        %sub3A_367 = arith.constant 1 : i32
        %sub3A_368 = arith.subi %div3A_347, %sub3A_367 : i32
        %select_n3A_369 = arith.select %and3A_366, %sub3A_368, %div3A_347 : i32
        %jit3A_370 = arith.constant 4 : i32
        %eq3A_371 = arith.constant 0 : i32
        %eq3A_372 = arith.cmpi eq, %jit3A_370, %eq3A_371 : i32
        %jit3A_373 = arith.constant 1 : i32
        %select_n3A_374 = arith.select %eq3A_372, %jit3A_373, %jit3A_370 : i32
        %rem3A_375 = arith.remsi %sub3A_345, %select_n3A_374 : i32
        %ne3A_376 = arith.constant 0 : i32
        %ne3A_377 = arith.cmpi ne, %rem3A_375, %ne3A_376 : i32
        %lt3A_378 = arith.constant 0 : i32
        %lt3A_379 = arith.cmpi slt, %rem3A_375, %lt3A_378 : i32
        %lt3A_380 = arith.constant 0 : i32
        %lt3A_381 = arith.cmpi slt, %select_n3A_374, %lt3A_380 : i32
        %ne3A_382 = arith.xori %lt3A_379, %lt3A_381 : i1
        %and3A_383 = arith.andi %ne3A_382, %ne3A_377 : i1
        %add3A_384 = arith.addi %rem3A_375, %select_n3A_374 : i32
        %select_n3A_385 = arith.select %and3A_383, %add3A_384, %rem3A_375 : i32
        %mul3A_386 = arith.constant 16 : i32
        %mul3A_387 = arith.muli %select_n3A_369, %mul3A_386 : i32
        %get3A_388 = arith.index_cast %mul3A_387 : i32 to index
        %get3A_389 = tpu.vector_load %arg8[%get3A_388] {strides = array<i32>} : memref<256xi32, #tpu.memory_space<vmem>>, vector<16xi32>,
        %mul3A_390 = arith.constant 16 : i32
        %mul3A_391 = arith.muli %select_n3A_369, %mul3A_390 : i32
        %get3A_392 = arith.index_cast %mul3A_391 : i32 to index
        %get3A_393 = tpu.vector_load %arg9[%get3A_392] {strides = array<i32>} : memref<256xf32, #tpu.memory_space<vmem>>, vector<16xf32>,
        %eq3A_394 = arith.constant 1 : i32
        %eq3A_395 = vector.broadcast %eq3A_394 : i32 to vector<16xi32>
        %eq3A_396 = arith.cmpi eq, %get3A_389, %eq3A_395 : vector<16xi32>
        %neg3A_397 = arith.constant 0.000000e+00 : f32
        %neg3A_398 = vector.broadcast %neg3A_397 : f32 to vector<16xf32>
        %neg3A_399 = arith.subf %neg3A_398, %get3A_393 : vector<16xf32>
        %select_n3A_400 = arith.select %eq3A_396, %broadcast_in_dim3A_3, %neg3A_399 : vector<16xi1>, vector<16xf32>
        %mul3A_401 = arith.constant 4 : i32
        %mul3A_402 = arith.muli %mul3A_401, %select_n3A_385 : i32
        %sub3A_403 = vector.broadcast %mul3A_402 : i32 to vector<16xi32>
        %sub3A_404 = arith.subi %iota3A, %sub3A_403 : vector<16xi32>
        %mul3A_405 = arith.constant 4 : i32
        %mul3A_406 = arith.muli %mul3A_405, %select_n3A_385 : i32
        %ge3A_407 = vector.broadcast %mul3A_406 : i32 to vector<16xi32>
        %ge3A_408 = arith.cmpi sge, %iota3A, %ge3A_407 : vector<16xi32>
        %add3A_409 = arith.constant 1 : i32
        %add3A_410 = arith.addi %select_n3A_385, %add3A_409 : i32
        %mul3A_411 = arith.constant 4 : i32
        %mul3A_412 = arith.muli %mul3A_411, %add3A_410 : i32
        %lt3A_413 = vector.broadcast %mul3A_412 : i32 to vector<16xi32>
        %lt3A_414 = arith.cmpi slt, %iota3A, %lt3A_413 : vector<16xi32>
        %and3A_415 = arith.andi %ge3A_408, %lt3A_414 : vector<16xi1>
        tpu.vector_store_idx %arg5[%sub3A_404, %get3A_389], %broadcast_in_dim3A_3 masked %and3A_415 : memref<4x8192xf32, #tpu.memory_space<vmem>>[vector<16xi32>, vector<16xi32>], vector<16xf32>, vector<16xi1>
      } else {
      }
      %jit3A = arith.constant 4 : i32
      %div3A = arith.divsi %mul3A_83, %jit3A : i32
      %sign3A = arith.constant 0 : i32
      %sign3A_87 = arith.cmpi sgt, %mul3A_83, %sign3A : i32
      %sign3A_88 = arith.extui %sign3A_87 : i1 to i32
      %sign3A_89 = arith.constant 0 : i32
      %sign3A_90 = arith.cmpi slt, %mul3A_83, %sign3A_89 : i32
      %sign3A_91 = arith.extui %sign3A_90 : i1 to i32
      %sign3A_92 = arith.subi %sign3A_88, %sign3A_91 : i32
      %sign3A_93 = arith.constant 0 : i32
      %sign3A_94 = arith.cmpi sgt, %jit3A, %sign3A_93 : i32
      %sign3A_95 = arith.extui %sign3A_94 : i1 to i32
      %sign3A_96 = arith.constant 0 : i32
      %sign3A_97 = arith.cmpi slt, %jit3A, %sign3A_96 : i32
      %sign3A_98 = arith.extui %sign3A_97 : i1 to i32
      %sign3A_99 = arith.subi %sign3A_95, %sign3A_98 : i32
      %ne3A = arith.cmpi ne, %sign3A_92, %sign3A_99 : i32
      %rem3A = arith.remsi %mul3A_83, %jit3A : i32
      %ne3A_100 = arith.constant 0 : i32
      %ne3A_101 = arith.cmpi ne, %rem3A, %ne3A_100 : i32
      %and3A_102 = arith.andi %ne3A, %ne3A_101 : i1
      %sub3A_103 = arith.constant 1 : i32
      %sub3A_104 = arith.subi %div3A, %sub3A_103 : i32
      %select_n3A_105 = arith.select %and3A_102, %sub3A_104, %div3A : i32
      %jit3A_106 = arith.constant 4 : i32
      %eq3A_107 = arith.constant 0 : i32
      %eq3A_108 = arith.cmpi eq, %jit3A_106, %eq3A_107 : i32
      %jit3A_109 = arith.constant 1 : i32
      %select_n3A_110 = arith.select %eq3A_108, %jit3A_109, %jit3A_106 : i32
      %rem3A_111 = arith.remsi %mul3A_83, %select_n3A_110 : i32
      %ne3A_112 = arith.constant 0 : i32
      %ne3A_113 = arith.cmpi ne, %rem3A_111, %ne3A_112 : i32
      %lt3A_114 = arith.constant 0 : i32
      %lt3A_115 = arith.cmpi slt, %rem3A_111, %lt3A_114 : i32
      %lt3A_116 = arith.constant 0 : i32
      %lt3A_117 = arith.cmpi slt, %select_n3A_110, %lt3A_116 : i32
      %ne3A_118 = arith.xori %lt3A_115, %lt3A_117 : i1
      %and3A_119 = arith.andi %ne3A_118, %ne3A_113 : i1
      %add3A_120 = arith.addi %rem3A_111, %select_n3A_110 : i32
      %select_n3A_121 = arith.select %and3A_119, %add3A_120, %rem3A_111 : i32
      %mul3A_122 = arith.constant 16 : i32
      %mul3A_123 = arith.muli %select_n3A_105, %mul3A_122 : i32
      %get3A_124 = arith.index_cast %mul3A_123 : i32 to index
      %get3A_125 = tpu.vector_load %arg8[%get3A_124] {strides = array<i32>} : memref<256xi32, #tpu.memory_space<vmem>>, vector<16xi32>,
      %mul3A_126 = arith.constant 16 : i32
      %mul3A_127 = arith.muli %select_n3A_105, %mul3A_126 : i32
      %get3A_128 = arith.index_cast %mul3A_127 : i32 to index
      %get3A_129 = tpu.vector_load %arg9[%get3A_128] {strides = array<i32>} : memref<256xf32, #tpu.memory_space<vmem>>, vector<16xf32>,
      %eq3A_130 = arith.constant 1 : i32
      %eq3A_131 = vector.broadcast %eq3A_130 : i32 to vector<16xi32>
      %eq3A_132 = arith.cmpi eq, %get3A_125, %eq3A_131 : vector<16xi32>
      %neg3A_133 = arith.constant 0.000000e+00 : f32
      %neg3A_134 = vector.broadcast %neg3A_133 : f32 to vector<16xf32>
      %neg3A_135 = arith.subf %neg3A_134, %get3A_129 : vector<16xf32>
      %select_n3A_136 = arith.select %eq3A_132, %broadcast_in_dim3A_3, %neg3A_135 : vector<16xi1>, vector<16xf32>
      %mul3A_137 = arith.constant 4 : i32
      %mul3A_138 = arith.muli %mul3A_137, %select_n3A_121 : i32
      %sub3A_139 = vector.broadcast %mul3A_138 : i32 to vector<16xi32>
      %sub3A_140 = arith.subi %iota3A, %sub3A_139 : vector<16xi32>
      %mul3A_141 = arith.constant 4 : i32
      %mul3A_142 = arith.muli %mul3A_141, %select_n3A_121 : i32
      %ge3A_143 = vector.broadcast %mul3A_142 : i32 to vector<16xi32>
      %ge3A_144 = arith.cmpi sge, %iota3A, %ge3A_143 : vector<16xi32>
      %add3A_145 = arith.constant 1 : i32
      %add3A_146 = arith.addi %select_n3A_121, %add3A_145 : i32
      %mul3A_147 = arith.constant 4 : i32
      %mul3A_148 = arith.muli %mul3A_147, %add3A_146 : i32
      %lt3A_149 = vector.broadcast %mul3A_148 : i32 to vector<16xi32>
      %lt3A_150 = arith.cmpi slt, %iota3A, %lt3A_149 : vector<16xi32>
      %and3A_151 = arith.andi %ge3A_144, %lt3A_150 : vector<16xi1>
      tpu.vector_store_idx %arg5[%sub3A_140, %get3A_125], %select_n3A_136 masked %and3A_151 : memref<4x8192xf32, #tpu.memory_space<vmem>>[vector<16xi32>, vector<16xi32>], vector<16xf32>, vector<16xi1>
      %mul3A_152 = arith.constant 4 : i32
      %mul3A_153 = arith.muli %mul3A_83, %mul3A_152 : i32
      %add3A_154 = arith.addi %mul3A_2, %mul3A_153 : i32
      %multiple_of3A_155 = tpu.assume_multiple %add3A_154, 4 : i32
      %dma_start3A_156 = arith.constant 0 : i32
      %dma_start3A_157 = tpu.memref_slice %arg4[%multiple_of3A_155, %dma_start3A_156] : memref<8192x8192xf32, #tpu.memory_space<hbm>> -> memref<4x8192xf32, #tpu.memory_space<hbm>>
      %dma_start3A_158 = arith.constant 0 : i32
      %dma_start3A_159 = tpu.memref_slice %arg4[%multiple_of3A_155, %dma_start3A_158] : memref<8192x8192xf32, #tpu.memory_space<hbm>> -> memref<4x8192xf32, #tpu.memory_space<hbm>>
      tpu.enqueue_dma source(%arg5 : memref<4x8192xf32, #tpu.memory_space<vmem>>) target(%dma_start3A_159 : memref<4x8192xf32, #tpu.memory_space<hbm>>) target_semaphore(%arg10 : memref<!tpu.dma_semaphore, #tpu.memory_space<semaphore_mem>>)
      %mul3A_160 = arith.constant 3 : i32
      %mul3A_161 = arith.muli %mul3A_160, %scan3A_81 : i32
      %add3A_162 = arith.constant 1 : i32
      %add3A_163 = arith.addi %mul3A_161, %add3A_162 : i32
      %ge3A_164 = arith.constant 3 : i32
      %ge3A_165 = arith.cmpi sge, %add3A_163, %ge3A_164 : i32
      %convert_element_type3A_166 = arith.extui %ge3A_165 : i1 to i32
      %cond3A_167 = arith.constant 0 : i32
      %cond3A_168 = arith.cmpi ne, %convert_element_type3A_166, %cond3A_167 : i32
      scf.if %cond3A_168 {
        %sub3A_334 = arith.constant 3 : i32
        %sub3A_335 = arith.subi %add3A_163, %sub3A_334 : i32
        %mul3A_336 = arith.constant 4 : i32
        %mul3A_337 = arith.muli %sub3A_335, %mul3A_336 : i32
        %add3A_338 = arith.addi %mul3A_2, %mul3A_337 : i32
        %multiple_of3A_339 = tpu.assume_multiple %add3A_338, 4 : i32
        %dma_wait3A_340 = arith.constant 0 : i32
        %dma_wait3A_341 = tpu.memref_slice %arg4[%multiple_of3A_339, %dma_wait3A_340] : memref<8192x8192xf32, #tpu.memory_space<hbm>> -> memref<4x8192xf32, #tpu.memory_space<hbm>>
        %dma_wait3A_342 = arith.constant 0 : i32
        %dma_wait3A_343 = tpu.memref_slice %arg4[%multiple_of3A_339, %dma_wait3A_342] : memref<8192x8192xf32, #tpu.memory_space<hbm>> -> memref<4x8192xf32, #tpu.memory_space<hbm>>
        tpu.wait_dma2 semaphore(%arg11 : memref<!tpu.dma_semaphore, #tpu.memory_space<semaphore_mem>>) src(%arg6 : memref<4x8192xf32, #tpu.memory_space<vmem>>) dst(%dma_wait3A_343 : memref<4x8192xf32, #tpu.memory_space<hbm>>)
        %sub3A_344 = arith.constant 3 : i32
        %sub3A_345 = arith.subi %add3A_163, %sub3A_344 : i32
        %jit3A_346 = arith.constant 4 : i32
        %div3A_347 = arith.divsi %sub3A_345, %jit3A_346 : i32
        %sign3A_348 = arith.constant 0 : i32
        %sign3A_349 = arith.cmpi sgt, %sub3A_345, %sign3A_348 : i32
        %sign3A_350 = arith.extui %sign3A_349 : i1 to i32
        %sign3A_351 = arith.constant 0 : i32
        %sign3A_352 = arith.cmpi slt, %sub3A_345, %sign3A_351 : i32
        %sign3A_353 = arith.extui %sign3A_352 : i1 to i32
        %sign3A_354 = arith.subi %sign3A_350, %sign3A_353 : i32
        %sign3A_355 = arith.constant 0 : i32
        %sign3A_356 = arith.cmpi sgt, %jit3A_346, %sign3A_355 : i32
        %sign3A_357 = arith.extui %sign3A_356 : i1 to i32
        %sign3A_358 = arith.constant 0 : i32
        %sign3A_359 = arith.cmpi slt, %jit3A_346, %sign3A_358 : i32
        %sign3A_360 = arith.extui %sign3A_359 : i1 to i32
        %sign3A_361 = arith.subi %sign3A_357, %sign3A_360 : i32
        %ne3A_362 = arith.cmpi ne, %sign3A_354, %sign3A_361 : i32
        %rem3A_363 = arith.remsi %sub3A_345, %jit3A_346 : i32
        %ne3A_364 = arith.constant 0 : i32
        %ne3A_365 = arith.cmpi ne, %rem3A_363, %ne3A_364 : i32
        %and3A_366 = arith.andi %ne3A_362, %ne3A_365 : i1
        %sub3A_367 = arith.constant 1 : i32
        %sub3A_368 = arith.subi %div3A_347, %sub3A_367 : i32
        %select_n3A_369 = arith.select %and3A_366, %sub3A_368, %div3A_347 : i32
        %jit3A_370 = arith.constant 4 : i32
        %eq3A_371 = arith.constant 0 : i32
        %eq3A_372 = arith.cmpi eq, %jit3A_370, %eq3A_371 : i32
        %jit3A_373 = arith.constant 1 : i32
        %select_n3A_374 = arith.select %eq3A_372, %jit3A_373, %jit3A_370 : i32
        %rem3A_375 = arith.remsi %sub3A_345, %select_n3A_374 : i32
        %ne3A_376 = arith.constant 0 : i32
        %ne3A_377 = arith.cmpi ne, %rem3A_375, %ne3A_376 : i32
        %lt3A_378 = arith.constant 0 : i32
        %lt3A_379 = arith.cmpi slt, %rem3A_375, %lt3A_378 : i32
        %lt3A_380 = arith.constant 0 : i32
        %lt3A_381 = arith.cmpi slt, %select_n3A_374, %lt3A_380 : i32
        %ne3A_382 = arith.xori %lt3A_379, %lt3A_381 : i1
        %and3A_383 = arith.andi %ne3A_382, %ne3A_377 : i1
        %add3A_384 = arith.addi %rem3A_375, %select_n3A_374 : i32
        %select_n3A_385 = arith.select %and3A_383, %add3A_384, %rem3A_375 : i32
        %mul3A_386 = arith.constant 16 : i32
        %mul3A_387 = arith.muli %select_n3A_369, %mul3A_386 : i32
        %get3A_388 = arith.index_cast %mul3A_387 : i32 to index
        %get3A_389 = tpu.vector_load %arg8[%get3A_388] {strides = array<i32>} : memref<256xi32, #tpu.memory_space<vmem>>, vector<16xi32>,
        %mul3A_390 = arith.constant 16 : i32
        %mul3A_391 = arith.muli %select_n3A_369, %mul3A_390 : i32
        %get3A_392 = arith.index_cast %mul3A_391 : i32 to index
        %get3A_393 = tpu.vector_load %arg9[%get3A_392] {strides = array<i32>} : memref<256xf32, #tpu.memory_space<vmem>>, vector<16xf32>,
        %eq3A_394 = arith.constant 1 : i32
        %eq3A_395 = vector.broadcast %eq3A_394 : i32 to vector<16xi32>
        %eq3A_396 = arith.cmpi eq, %get3A_389, %eq3A_395 : vector<16xi32>
        %neg3A_397 = arith.constant 0.000000e+00 : f32
        %neg3A_398 = vector.broadcast %neg3A_397 : f32 to vector<16xf32>
        %neg3A_399 = arith.subf %neg3A_398, %get3A_393 : vector<16xf32>
        %select_n3A_400 = arith.select %eq3A_396, %broadcast_in_dim3A_3, %neg3A_399 : vector<16xi1>, vector<16xf32>
        %mul3A_401 = arith.constant 4 : i32
        %mul3A_402 = arith.muli %mul3A_401, %select_n3A_385 : i32
        %sub3A_403 = vector.broadcast %mul3A_402 : i32 to vector<16xi32>
        %sub3A_404 = arith.subi %iota3A, %sub3A_403 : vector<16xi32>
        %mul3A_405 = arith.constant 4 : i32
        %mul3A_406 = arith.muli %mul3A_405, %select_n3A_385 : i32
        %ge3A_407 = vector.broadcast %mul3A_406 : i32 to vector<16xi32>
        %ge3A_408 = arith.cmpi sge, %iota3A, %ge3A_407 : vector<16xi32>
        %add3A_409 = arith.constant 1 : i32
        %add3A_410 = arith.addi %select_n3A_385, %add3A_409 : i32
        %mul3A_411 = arith.constant 4 : i32
        %mul3A_412 = arith.muli %mul3A_411, %add3A_410 : i32
        %lt3A_413 = vector.broadcast %mul3A_412 : i32 to vector<16xi32>
        %lt3A_414 = arith.cmpi slt, %iota3A, %lt3A_413 : vector<16xi32>
        %and3A_415 = arith.andi %ge3A_408, %lt3A_414 : vector<16xi1>
        tpu.vector_store_idx %arg6[%sub3A_404, %get3A_389], %broadcast_in_dim3A_3 masked %and3A_415 : memref<4x8192xf32, #tpu.memory_space<vmem>>[vector<16xi32>, vector<16xi32>], vector<16xf32>, vector<16xi1>
      } else {
      }
      %jit3A_169 = arith.constant 4 : i32
      %div3A_170 = arith.divsi %add3A_163, %jit3A_169 : i32
      %sign3A_171 = arith.constant 0 : i32
      %sign3A_172 = arith.cmpi sgt, %add3A_163, %sign3A_171 : i32
      %sign3A_173 = arith.extui %sign3A_172 : i1 to i32
      %sign3A_174 = arith.constant 0 : i32
      %sign3A_175 = arith.cmpi slt, %add3A_163, %sign3A_174 : i32
      %sign3A_176 = arith.extui %sign3A_175 : i1 to i32
      %sign3A_177 = arith.subi %sign3A_173, %sign3A_176 : i32
      %sign3A_178 = arith.constant 0 : i32
      %sign3A_179 = arith.cmpi sgt, %jit3A_169, %sign3A_178 : i32
      %sign3A_180 = arith.extui %sign3A_179 : i1 to i32
      %sign3A_181 = arith.constant 0 : i32
      %sign3A_182 = arith.cmpi slt, %jit3A_169, %sign3A_181 : i32
      %sign3A_183 = arith.extui %sign3A_182 : i1 to i32
      %sign3A_184 = arith.subi %sign3A_180, %sign3A_183 : i32
      %ne3A_185 = arith.cmpi ne, %sign3A_177, %sign3A_184 : i32
      %rem3A_186 = arith.remsi %add3A_163, %jit3A_169 : i32
      %ne3A_187 = arith.constant 0 : i32
      %ne3A_188 = arith.cmpi ne, %rem3A_186, %ne3A_187 : i32
      %and3A_189 = arith.andi %ne3A_185, %ne3A_188 : i1
      %sub3A_190 = arith.constant 1 : i32
      %sub3A_191 = arith.subi %div3A_170, %sub3A_190 : i32
      %select_n3A_192 = arith.select %and3A_189, %sub3A_191, %div3A_170 : i32
      %jit3A_193 = arith.constant 4 : i32
      %eq3A_194 = arith.constant 0 : i32
      %eq3A_195 = arith.cmpi eq, %jit3A_193, %eq3A_194 : i32
      %jit3A_196 = arith.constant 1 : i32
      %select_n3A_197 = arith.select %eq3A_195, %jit3A_196, %jit3A_193 : i32
      %rem3A_198 = arith.remsi %add3A_163, %select_n3A_197 : i32
      %ne3A_199 = arith.constant 0 : i32
      %ne3A_200 = arith.cmpi ne, %rem3A_198, %ne3A_199 : i32
      %lt3A_201 = arith.constant 0 : i32
      %lt3A_202 = arith.cmpi slt, %rem3A_198, %lt3A_201 : i32
      %lt3A_203 = arith.constant 0 : i32
      %lt3A_204 = arith.cmpi slt, %select_n3A_197, %lt3A_203 : i32
      %ne3A_205 = arith.xori %lt3A_202, %lt3A_204 : i1
      %and3A_206 = arith.andi %ne3A_205, %ne3A_200 : i1
      %add3A_207 = arith.addi %rem3A_198, %select_n3A_197 : i32
      %select_n3A_208 = arith.select %and3A_206, %add3A_207, %rem3A_198 : i32
      %mul3A_209 = arith.constant 16 : i32
      %mul3A_210 = arith.muli %select_n3A_192, %mul3A_209 : i32
      %get3A_211 = arith.index_cast %mul3A_210 : i32 to index
      %get3A_212 = tpu.vector_load %arg8[%get3A_211] {strides = array<i32>} : memref<256xi32, #tpu.memory_space<vmem>>, vector<16xi32>,
      %mul3A_213 = arith.constant 16 : i32
      %mul3A_214 = arith.muli %select_n3A_192, %mul3A_213 : i32
      %get3A_215 = arith.index_cast %mul3A_214 : i32 to index
      %get3A_216 = tpu.vector_load %arg9[%get3A_215] {strides = array<i32>} : memref<256xf32, #tpu.memory_space<vmem>>, vector<16xf32>,
      %eq3A_217 = arith.constant 1 : i32
      %eq3A_218 = vector.broadcast %eq3A_217 : i32 to vector<16xi32>
      %eq3A_219 = arith.cmpi eq, %get3A_212, %eq3A_218 : vector<16xi32>
      %neg3A_220 = arith.constant 0.000000e+00 : f32
      %neg3A_221 = vector.broadcast %neg3A_220 : f32 to vector<16xf32>
      %neg3A_222 = arith.subf %neg3A_221, %get3A_216 : vector<16xf32>
      %select_n3A_223 = arith.select %eq3A_219, %broadcast_in_dim3A_3, %neg3A_222 : vector<16xi1>, vector<16xf32>
      %mul3A_224 = arith.constant 4 : i32
      %mul3A_225 = arith.muli %mul3A_224, %select_n3A_208 : i32
      %sub3A_226 = vector.broadcast %mul3A_225 : i32 to vector<16xi32>
      %sub3A_227 = arith.subi %iota3A, %sub3A_226 : vector<16xi32>
      %mul3A_228 = arith.constant 4 : i32
      %mul3A_229 = arith.muli %mul3A_228, %select_n3A_208 : i32
      %ge3A_230 = vector.broadcast %mul3A_229 : i32 to vector<16xi32>
      %ge3A_231 = arith.cmpi sge, %iota3A, %ge3A_230 : vector<16xi32>
      %add3A_232 = arith.constant 1 : i32
      %add3A_233 = arith.addi %select_n3A_208, %add3A_232 : i32
      %mul3A_234 = arith.constant 4 : i32
      %mul3A_235 = arith.muli %mul3A_234, %add3A_233 : i32
      %lt3A_236 = vector.broadcast %mul3A_235 : i32 to vector<16xi32>
      %lt3A_237 = arith.cmpi slt, %iota3A, %lt3A_236 : vector<16xi32>
      %and3A_238 = arith.andi %ge3A_231, %lt3A_237 : vector<16xi1>
      tpu.vector_store_idx %arg6[%sub3A_227, %get3A_212], %select_n3A_223 masked %and3A_238 : memref<4x8192xf32, #tpu.memory_space<vmem>>[vector<16xi32>, vector<16xi32>], vector<16xf32>, vector<16xi1>
      %mul3A_239 = arith.constant 4 : i32
      %mul3A_240 = arith.muli %add3A_163, %mul3A_239 : i32
      %add3A_241 = arith.addi %mul3A_2, %mul3A_240 : i32
      %multiple_of3A_242 = tpu.assume_multiple %add3A_241, 4 : i32
      %dma_start3A_243 = arith.constant 0 : i32
      %dma_start3A_244 = tpu.memref_slice %arg4[%multiple_of3A_242, %dma_start3A_243] : memref<8192x8192xf32, #tpu.memory_space<hbm>> -> memref<4x8192xf32, #tpu.memory_space<hbm>>
      %dma_start3A_245 = arith.constant 0 : i32
      %dma_start3A_246 = tpu.memref_slice %arg4[%multiple_of3A_242, %dma_start3A_245] : memref<8192x8192xf32, #tpu.memory_space<hbm>> -> memref<4x8192xf32, #tpu.memory_space<hbm>>
      tpu.enqueue_dma source(%arg6 : memref<4x8192xf32, #tpu.memory_space<vmem>>) target(%dma_start3A_246 : memref<4x8192xf32, #tpu.memory_space<hbm>>) target_semaphore(%arg11 : memref<!tpu.dma_semaphore, #tpu.memory_space<semaphore_mem>>)
      %mul3A_247 = arith.constant 3 : i32
      %mul3A_248 = arith.muli %mul3A_247, %scan3A_81 : i32
      %add3A_249 = arith.constant 2 : i32
      %add3A_250 = arith.addi %mul3A_248, %add3A_249 : i32
      %ge3A_251 = arith.constant 3 : i32
      %ge3A_252 = arith.cmpi sge, %add3A_250, %ge3A_251 : i32
      %convert_element_type3A_253 = arith.extui %ge3A_252 : i1 to i32
      %cond3A_254 = arith.constant 0 : i32
      %cond3A_255 = arith.cmpi ne, %convert_element_type3A_253, %cond3A_254 : i32
      scf.if %cond3A_255 {
        %sub3A_334 = arith.constant 3 : i32
        %sub3A_335 = arith.subi %add3A_250, %sub3A_334 : i32
        %mul3A_336 = arith.constant 4 : i32
        %mul3A_337 = arith.muli %sub3A_335, %mul3A_336 : i32
        %add3A_338 = arith.addi %mul3A_2, %mul3A_337 : i32
        %multiple_of3A_339 = tpu.assume_multiple %add3A_338, 4 : i32
        %dma_wait3A_340 = arith.constant 0 : i32
        %dma_wait3A_341 = tpu.memref_slice %arg4[%multiple_of3A_339, %dma_wait3A_340] : memref<8192x8192xf32, #tpu.memory_space<hbm>> -> memref<4x8192xf32, #tpu.memory_space<hbm>>
        %dma_wait3A_342 = arith.constant 0 : i32
        %dma_wait3A_343 = tpu.memref_slice %arg4[%multiple_of3A_339, %dma_wait3A_342] : memref<8192x8192xf32, #tpu.memory_space<hbm>> -> memref<4x8192xf32, #tpu.memory_space<hbm>>
        tpu.wait_dma2 semaphore(%arg12 : memref<!tpu.dma_semaphore, #tpu.memory_space<semaphore_mem>>) src(%arg7 : memref<4x8192xf32, #tpu.memory_space<vmem>>) dst(%dma_wait3A_343 : memref<4x8192xf32, #tpu.memory_space<hbm>>)
        %sub3A_344 = arith.constant 3 : i32
        %sub3A_345 = arith.subi %add3A_250, %sub3A_344 : i32
        %jit3A_346 = arith.constant 4 : i32
        %div3A_347 = arith.divsi %sub3A_345, %jit3A_346 : i32
        %sign3A_348 = arith.constant 0 : i32
        %sign3A_349 = arith.cmpi sgt, %sub3A_345, %sign3A_348 : i32
        %sign3A_350 = arith.extui %sign3A_349 : i1 to i32
        %sign3A_351 = arith.constant 0 : i32
        %sign3A_352 = arith.cmpi slt, %sub3A_345, %sign3A_351 : i32
        %sign3A_353 = arith.extui %sign3A_352 : i1 to i32
        %sign3A_354 = arith.subi %sign3A_350, %sign3A_353 : i32
        %sign3A_355 = arith.constant 0 : i32
        %sign3A_356 = arith.cmpi sgt, %jit3A_346, %sign3A_355 : i32
        %sign3A_357 = arith.extui %sign3A_356 : i1 to i32
        %sign3A_358 = arith.constant 0 : i32
        %sign3A_359 = arith.cmpi slt, %jit3A_346, %sign3A_358 : i32
        %sign3A_360 = arith.extui %sign3A_359 : i1 to i32
        %sign3A_361 = arith.subi %sign3A_357, %sign3A_360 : i32
        %ne3A_362 = arith.cmpi ne, %sign3A_354, %sign3A_361 : i32
        %rem3A_363 = arith.remsi %sub3A_345, %jit3A_346 : i32
        %ne3A_364 = arith.constant 0 : i32
        %ne3A_365 = arith.cmpi ne, %rem3A_363, %ne3A_364 : i32
        %and3A_366 = arith.andi %ne3A_362, %ne3A_365 : i1
        %sub3A_367 = arith.constant 1 : i32
        %sub3A_368 = arith.subi %div3A_347, %sub3A_367 : i32
        %select_n3A_369 = arith.select %and3A_366, %sub3A_368, %div3A_347 : i32
        %jit3A_370 = arith.constant 4 : i32
        %eq3A_371 = arith.constant 0 : i32
        %eq3A_372 = arith.cmpi eq, %jit3A_370, %eq3A_371 : i32
        %jit3A_373 = arith.constant 1 : i32
        %select_n3A_374 = arith.select %eq3A_372, %jit3A_373, %jit3A_370 : i32
        %rem3A_375 = arith.remsi %sub3A_345, %select_n3A_374 : i32
        %ne3A_376 = arith.constant 0 : i32
        %ne3A_377 = arith.cmpi ne, %rem3A_375, %ne3A_376 : i32
        %lt3A_378 = arith.constant 0 : i32
        %lt3A_379 = arith.cmpi slt, %rem3A_375, %lt3A_378 : i32
        %lt3A_380 = arith.constant 0 : i32
        %lt3A_381 = arith.cmpi slt, %select_n3A_374, %lt3A_380 : i32
        %ne3A_382 = arith.xori %lt3A_379, %lt3A_381 : i1
        %and3A_383 = arith.andi %ne3A_382, %ne3A_377 : i1
        %add3A_384 = arith.addi %rem3A_375, %select_n3A_374 : i32
        %select_n3A_385 = arith.select %and3A_383, %add3A_384, %rem3A_375 : i32
        %mul3A_386 = arith.constant 16 : i32
        %mul3A_387 = arith.muli %select_n3A_369, %mul3A_386 : i32
        %get3A_388 = arith.index_cast %mul3A_387 : i32 to index
        %get3A_389 = tpu.vector_load %arg8[%get3A_388] {strides = array<i32>} : memref<256xi32, #tpu.memory_space<vmem>>, vector<16xi32>,
        %mul3A_390 = arith.constant 16 : i32
        %mul3A_391 = arith.muli %select_n3A_369, %mul3A_390 : i32
        %get3A_392 = arith.index_cast %mul3A_391 : i32 to index
        %get3A_393 = tpu.vector_load %arg9[%get3A_392] {strides = array<i32>} : memref<256xf32, #tpu.memory_space<vmem>>, vector<16xf32>,
        %eq3A_394 = arith.constant 1 : i32
        %eq3A_395 = vector.broadcast %eq3A_394 : i32 to vector<16xi32>
        %eq3A_396 = arith.cmpi eq, %get3A_389, %eq3A_395 : vector<16xi32>
        %neg3A_397 = arith.constant 0.000000e+00 : f32
        %neg3A_398 = vector.broadcast %neg3A_397 : f32 to vector<16xf32>
        %neg3A_399 = arith.subf %neg3A_398, %get3A_393 : vector<16xf32>
        %select_n3A_400 = arith.select %eq3A_396, %broadcast_in_dim3A_3, %neg3A_399 : vector<16xi1>, vector<16xf32>
        %mul3A_401 = arith.constant 4 : i32
        %mul3A_402 = arith.muli %mul3A_401, %select_n3A_385 : i32
        %sub3A_403 = vector.broadcast %mul3A_402 : i32 to vector<16xi32>
        %sub3A_404 = arith.subi %iota3A, %sub3A_403 : vector<16xi32>
        %mul3A_405 = arith.constant 4 : i32
        %mul3A_406 = arith.muli %mul3A_405, %select_n3A_385 : i32
        %ge3A_407 = vector.broadcast %mul3A_406 : i32 to vector<16xi32>
        %ge3A_408 = arith.cmpi sge, %iota3A, %ge3A_407 : vector<16xi32>
        %add3A_409 = arith.constant 1 : i32
        %add3A_410 = arith.addi %select_n3A_385, %add3A_409 : i32
        %mul3A_411 = arith.constant 4 : i32
        %mul3A_412 = arith.muli %mul3A_411, %add3A_410 : i32
        %lt3A_413 = vector.broadcast %mul3A_412 : i32 to vector<16xi32>
        %lt3A_414 = arith.cmpi slt, %iota3A, %lt3A_413 : vector<16xi32>
        %and3A_415 = arith.andi %ge3A_408, %lt3A_414 : vector<16xi1>
        tpu.vector_store_idx %arg7[%sub3A_404, %get3A_389], %broadcast_in_dim3A_3 masked %and3A_415 : memref<4x8192xf32, #tpu.memory_space<vmem>>[vector<16xi32>, vector<16xi32>], vector<16xf32>, vector<16xi1>
      } else {
      }
      %jit3A_256 = arith.constant 4 : i32
      %div3A_257 = arith.divsi %add3A_250, %jit3A_256 : i32
      %sign3A_258 = arith.constant 0 : i32
      %sign3A_259 = arith.cmpi sgt, %add3A_250, %sign3A_258 : i32
      %sign3A_260 = arith.extui %sign3A_259 : i1 to i32
      %sign3A_261 = arith.constant 0 : i32
      %sign3A_262 = arith.cmpi slt, %add3A_250, %sign3A_261 : i32
      %sign3A_263 = arith.extui %sign3A_262 : i1 to i32
      %sign3A_264 = arith.subi %sign3A_260, %sign3A_263 : i32
      %sign3A_265 = arith.constant 0 : i32
      %sign3A_266 = arith.cmpi sgt, %jit3A_256, %sign3A_265 : i32
      %sign3A_267 = arith.extui %sign3A_266 : i1 to i32
      %sign3A_268 = arith.constant 0 : i32
      %sign3A_269 = arith.cmpi slt, %jit3A_256, %sign3A_268 : i32
      %sign3A_270 = arith.extui %sign3A_269 : i1 to i32
      %sign3A_271 = arith.subi %sign3A_267, %sign3A_270 : i32
      %ne3A_272 = arith.cmpi ne, %sign3A_264, %sign3A_271 : i32
      %rem3A_273 = arith.remsi %add3A_250, %jit3A_256 : i32
      %ne3A_274 = arith.constant 0 : i32
      %ne3A_275 = arith.cmpi ne, %rem3A_273, %ne3A_274 : i32
      %and3A_276 = arith.andi %ne3A_272, %ne3A_275 : i1
      %sub3A_277 = arith.constant 1 : i32
      %sub3A_278 = arith.subi %div3A_257, %sub3A_277 : i32
      %select_n3A_279 = arith.select %and3A_276, %sub3A_278, %div3A_257 : i32
      %jit3A_280 = arith.constant 4 : i32
      %eq3A_281 = arith.constant 0 : i32
      %eq3A_282 = arith.cmpi eq, %jit3A_280, %eq3A_281 : i32
      %jit3A_283 = arith.constant 1 : i32
      %select_n3A_284 = arith.select %eq3A_282, %jit3A_283, %jit3A_280 : i32
      %rem3A_285 = arith.remsi %add3A_250, %select_n3A_284 : i32
      %ne3A_286 = arith.constant 0 : i32
      %ne3A_287 = arith.cmpi ne, %rem3A_285, %ne3A_286 : i32
      %lt3A_288 = arith.constant 0 : i32
      %lt3A_289 = arith.cmpi slt, %rem3A_285, %lt3A_288 : i32
      %lt3A_290 = arith.constant 0 : i32
      %lt3A_291 = arith.cmpi slt, %select_n3A_284, %lt3A_290 : i32
      %ne3A_292 = arith.xori %lt3A_289, %lt3A_291 : i1
      %and3A_293 = arith.andi %ne3A_292, %ne3A_287 : i1
      %add3A_294 = arith.addi %rem3A_285, %select_n3A_284 : i32
      %select_n3A_295 = arith.select %and3A_293, %add3A_294, %rem3A_285 : i32
      %mul3A_296 = arith.constant 16 : i32
      %mul3A_297 = arith.muli %select_n3A_279, %mul3A_296 : i32
      %get3A_298 = arith.index_cast %mul3A_297 : i32 to index
      %get3A_299 = tpu.vector_load %arg8[%get3A_298] {strides = array<i32>} : memref<256xi32, #tpu.memory_space<vmem>>, vector<16xi32>,
      %mul3A_300 = arith.constant 16 : i32
      %mul3A_301 = arith.muli %select_n3A_279, %mul3A_300 : i32
      %get3A_302 = arith.index_cast %mul3A_301 : i32 to index
      %get3A_303 = tpu.vector_load %arg9[%get3A_302] {strides = array<i32>} : memref<256xf32, #tpu.memory_space<vmem>>, vector<16xf32>,
      %eq3A_304 = arith.constant 1 : i32
      %eq3A_305 = vector.broadcast %eq3A_304 : i32 to vector<16xi32>
      %eq3A_306 = arith.cmpi eq, %get3A_299, %eq3A_305 : vector<16xi32>
      %neg3A_307 = arith.constant 0.000000e+00 : f32
      %neg3A_308 = vector.broadcast %neg3A_307 : f32 to vector<16xf32>
      %neg3A_309 = arith.subf %neg3A_308, %get3A_303 : vector<16xf32>
      %select_n3A_310 = arith.select %eq3A_306, %broadcast_in_dim3A_3, %neg3A_309 : vector<16xi1>, vector<16xf32>
      %mul3A_311 = arith.constant 4 : i32
      %mul3A_312 = arith.muli %mul3A_311, %select_n3A_295 : i32
      %sub3A_313 = vector.broadcast %mul3A_312 : i32 to vector<16xi32>
      %sub3A_314 = arith.subi %iota3A, %sub3A_313 : vector<16xi32>
      %mul3A_315 = arith.constant 4 : i32
      %mul3A_316 = arith.muli %mul3A_315, %select_n3A_295 : i32
      %ge3A_317 = vector.broadcast %mul3A_316 : i32 to vector<16xi32>
      %ge3A_318 = arith.cmpi sge, %iota3A, %ge3A_317 : vector<16xi32>
      %add3A_319 = arith.constant 1 : i32
      %add3A_320 = arith.addi %select_n3A_295, %add3A_319 : i32
      %mul3A_321 = arith.constant 4 : i32
      %mul3A_322 = arith.muli %mul3A_321, %add3A_320 : i32
      %lt3A_323 = vector.broadcast %mul3A_322 : i32 to vector<16xi32>
      %lt3A_324 = arith.cmpi slt, %iota3A, %lt3A_323 : vector<16xi32>
      %and3A_325 = arith.andi %ge3A_318, %lt3A_324 : vector<16xi1>
      tpu.vector_store_idx %arg7[%sub3A_314, %get3A_299], %select_n3A_310 masked %and3A_325 : memref<4x8192xf32, #tpu.memory_space<vmem>>[vector<16xi32>, vector<16xi32>], vector<16xf32>, vector<16xi1>
      %mul3A_326 = arith.constant 4 : i32
      %mul3A_327 = arith.muli %add3A_250, %mul3A_326 : i32
      %add3A_328 = arith.addi %mul3A_2, %mul3A_327 : i32
      %multiple_of3A_329 = tpu.assume_multiple %add3A_328, 4 : i32
      %dma_start3A_330 = arith.constant 0 : i32
      %dma_start3A_331 = tpu.memref_slice %arg4[%multiple_of3A_329, %dma_start3A_330] : memref<8192x8192xf32, #tpu.memory_space<hbm>> -> memref<4x8192xf32, #tpu.memory_space<hbm>>
      %dma_start3A_332 = arith.constant 0 : i32
      %dma_start3A_333 = tpu.memref_slice %arg4[%multiple_of3A_329, %dma_start3A_332] : memref<8192x8192xf32, #tpu.memory_space<hbm>> -> memref<4x8192xf32, #tpu.memory_space<hbm>>
      tpu.enqueue_dma source(%arg7 : memref<4x8192xf32, #tpu.memory_space<vmem>>) target(%dma_start3A_333 : memref<4x8192xf32, #tpu.memory_space<hbm>>) target_semaphore(%arg12 : memref<!tpu.dma_semaphore, #tpu.memory_space<semaphore_mem>>)
    }
    %scan3A_14 = arith.constant 21 : i32
    %add3A_15 = arith.constant 240 : i32
    %add3A_16 = arith.addi %mul3A_2, %add3A_15 : i32
    %multiple_of3A = tpu.assume_multiple %add3A_16, 4 : i32
    %dma_wait3A = arith.constant 0 : i32
    %dma_wait3A_17 = tpu.memref_slice %arg4[%multiple_of3A, %dma_wait3A] : memref<8192x8192xf32, #tpu.memory_space<hbm>> -> memref<4x8192xf32, #tpu.memory_space<hbm>>
    %dma_wait3A_18 = arith.constant 0 : i32
    %dma_wait3A_19 = tpu.memref_slice %arg4[%multiple_of3A, %dma_wait3A_18] : memref<8192x8192xf32, #tpu.memory_space<hbm>> -> memref<4x8192xf32, #tpu.memory_space<hbm>>
    tpu.wait_dma2 semaphore(%arg10 : memref<!tpu.dma_semaphore, #tpu.memory_space<semaphore_mem>>) src(%arg5 : memref<4x8192xf32, #tpu.memory_space<vmem>>) dst(%dma_wait3A_19 : memref<4x8192xf32, #tpu.memory_space<hbm>>)
    %get3A = arith.constant 240 : index
    %get3A_20 = tpu.vector_load %arg8[%get3A] {strides = array<i32>} : memref<256xi32, #tpu.memory_space<vmem>>, vector<16xi32>,
    %get3A_21 = arith.constant 240 : index
    %get3A_22 = tpu.vector_load %arg9[%get3A_21] {strides = array<i32>} : memref<256xf32, #tpu.memory_space<vmem>>, vector<16xf32>,
    %eq3A = arith.constant 1 : i32
    %eq3A_23 = vector.broadcast %eq3A : i32 to vector<16xi32>
    %eq3A_24 = arith.cmpi eq, %get3A_20, %eq3A_23 : vector<16xi32>
    %neg3A = arith.constant 0.000000e+00 : f32
    %neg3A_25 = vector.broadcast %neg3A : f32 to vector<16xf32>
    %neg3A_26 = arith.subf %neg3A_25, %get3A_22 : vector<16xf32>
    %select_n3A = arith.select %eq3A_24, %broadcast_in_dim3A_3, %neg3A_26 : vector<16xi1>, vector<16xf32>
    %sub3A = arith.constant 0 : i32
    %sub3A_27 = vector.broadcast %sub3A : i32 to vector<16xi32>
    %sub3A_28 = arith.subi %iota3A, %sub3A_27 : vector<16xi32>
    %ge3A = arith.constant 0 : i32
    %ge3A_29 = vector.broadcast %ge3A : i32 to vector<16xi32>
    %ge3A_30 = arith.cmpi sge, %iota3A, %ge3A_29 : vector<16xi32>
    %lt3A = arith.constant 4 : i32
    %lt3A_31 = vector.broadcast %lt3A : i32 to vector<16xi32>
    %lt3A_32 = arith.cmpi slt, %iota3A, %lt3A_31 : vector<16xi32>
    %and3A = arith.andi %ge3A_30, %lt3A_32 : vector<16xi1>
    tpu.vector_store_idx %arg5[%sub3A_28, %get3A_20], %broadcast_in_dim3A_3 masked %and3A : memref<4x8192xf32, #tpu.memory_space<vmem>>[vector<16xi32>, vector<16xi32>], vector<16xf32>, vector<16xi1>
    %get3A_33 = arith.constant 240 : index
    %get3A_34 = tpu.vector_load %arg8[%get3A_33] {strides = array<i32>} : memref<256xi32, #tpu.memory_space<vmem>>, vector<16xi32>,
    %get3A_35 = arith.constant 240 : index
    %get3A_36 = tpu.vector_load %arg9[%get3A_35] {strides = array<i32>} : memref<256xf32, #tpu.memory_space<vmem>>, vector<16xf32>,
    %eq3A_37 = arith.constant 1 : i32
    %eq3A_38 = vector.broadcast %eq3A_37 : i32 to vector<16xi32>
    %eq3A_39 = arith.cmpi eq, %get3A_34, %eq3A_38 : vector<16xi32>
    %neg3A_40 = arith.constant 0.000000e+00 : f32
    %neg3A_41 = vector.broadcast %neg3A_40 : f32 to vector<16xf32>
    %neg3A_42 = arith.subf %neg3A_41, %get3A_36 : vector<16xf32>
    %select_n3A_43 = arith.select %eq3A_39, %broadcast_in_dim3A_3, %neg3A_42 : vector<16xi1>, vector<16xf32>
    %sub3A_44 = arith.constant 12 : i32
    %sub3A_45 = vector.broadcast %sub3A_44 : i32 to vector<16xi32>
    %sub3A_46 = arith.subi %iota3A, %sub3A_45 : vector<16xi32>
    %ge3A_47 = arith.constant 12 : i32
    %ge3A_48 = vector.broadcast %ge3A_47 : i32 to vector<16xi32>
    %ge3A_49 = arith.cmpi sge, %iota3A, %ge3A_48 : vector<16xi32>
    %lt3A_50 = arith.constant 16 : i32
    %lt3A_51 = vector.broadcast %lt3A_50 : i32 to vector<16xi32>
    %lt3A_52 = arith.cmpi slt, %iota3A, %lt3A_51 : vector<16xi32>
    %and3A_53 = arith.andi %ge3A_49, %lt3A_52 : vector<16xi1>
    tpu.vector_store_idx %arg5[%sub3A_46, %get3A_34], %select_n3A_43 masked %and3A_53 : memref<4x8192xf32, #tpu.memory_space<vmem>>[vector<16xi32>, vector<16xi32>], vector<16xf32>, vector<16xi1>
    %add3A_54 = arith.constant 252 : i32
    %add3A_55 = arith.addi %mul3A_2, %add3A_54 : i32
    %multiple_of3A_56 = tpu.assume_multiple %add3A_55, 4 : i32
    %dma_start3A = arith.constant 0 : i32
    %dma_start3A_57 = tpu.memref_slice %arg4[%multiple_of3A_56, %dma_start3A] : memref<8192x8192xf32, #tpu.memory_space<hbm>> -> memref<4x8192xf32, #tpu.memory_space<hbm>>
    %dma_start3A_58 = arith.constant 0 : i32
    %dma_start3A_59 = tpu.memref_slice %arg4[%multiple_of3A_56, %dma_start3A_58] : memref<8192x8192xf32, #tpu.memory_space<hbm>> -> memref<4x8192xf32, #tpu.memory_space<hbm>>
    tpu.enqueue_dma source(%arg5 : memref<4x8192xf32, #tpu.memory_space<vmem>>) target(%dma_start3A_59 : memref<4x8192xf32, #tpu.memory_space<hbm>>) target_semaphore(%arg10 : memref<!tpu.dma_semaphore, #tpu.memory_space<semaphore_mem>>)
    %add3A_60 = arith.constant 244 : i32
    %add3A_61 = arith.addi %mul3A_2, %add3A_60 : i32
    %multiple_of3A_62 = tpu.assume_multiple %add3A_61, 4 : i32
    %dma_wait3A_63 = arith.constant 0 : i32
    %dma_wait3A_64 = tpu.memref_slice %arg4[%multiple_of3A_62, %dma_wait3A_63] : memref<8192x8192xf32, #tpu.memory_space<hbm>> -> memref<4x8192xf32, #tpu.memory_space<hbm>>
    %dma_wait3A_65 = arith.constant 0 : i32
    %dma_wait3A_66 = tpu.memref_slice %arg4[%multiple_of3A_62, %dma_wait3A_65] : memref<8192x8192xf32, #tpu.memory_space<hbm>> -> memref<4x8192xf32, #tpu.memory_space<hbm>>
    tpu.wait_dma2 semaphore(%arg11 : memref<!tpu.dma_semaphore, #tpu.memory_space<semaphore_mem>>) src(%arg6 : memref<4x8192xf32, #tpu.memory_space<vmem>>) dst(%dma_wait3A_66 : memref<4x8192xf32, #tpu.memory_space<hbm>>)
    %add3A_67 = arith.constant 248 : i32
    %add3A_68 = arith.addi %mul3A_2, %add3A_67 : i32
    %multiple_of3A_69 = tpu.assume_multiple %add3A_68, 4 : i32
    %dma_wait3A_70 = arith.constant 0 : i32
    %dma_wait3A_71 = tpu.memref_slice %arg4[%multiple_of3A_69, %dma_wait3A_70] : memref<8192x8192xf32, #tpu.memory_space<hbm>> -> memref<4x8192xf32, #tpu.memory_space<hbm>>
    %dma_wait3A_72 = arith.constant 0 : i32
    %dma_wait3A_73 = tpu.memref_slice %arg4[%multiple_of3A_69, %dma_wait3A_72] : memref<8192x8192xf32, #tpu.memory_space<hbm>> -> memref<4x8192xf32, #tpu.memory_space<hbm>>
    tpu.wait_dma2 semaphore(%arg12 : memref<!tpu.dma_semaphore, #tpu.memory_space<semaphore_mem>>) src(%arg7 : memref<4x8192xf32, #tpu.memory_space<vmem>>) dst(%dma_wait3A_73 : memref<4x8192xf32, #tpu.memory_space<hbm>>)
    %add3A_74 = arith.constant 252 : i32
    %add3A_75 = arith.addi %mul3A_2, %add3A_74 : i32
    %multiple_of3A_76 = tpu.assume_multiple %add3A_75, 4 : i32
    %dma_wait3A_77 = arith.constant 0 : i32
    %dma_wait3A_78 = tpu.memref_slice %arg4[%multiple_of3A_76, %dma_wait3A_77] : memref<8192x8192xf32, #tpu.memory_space<hbm>> -> memref<4x8192xf32, #tpu.memory_space<hbm>>
    %dma_wait3A_79 = arith.constant 0 : i32
    %dma_wait3A_80 = tpu.memref_slice %arg4[%multiple_of3A_76, %dma_wait3A_79] : memref<8192x8192xf32, #tpu.memory_space<hbm>> -> memref<4x8192xf32, #tpu.memory_space<hbm>>
    tpu.wait_dma2 semaphore(%arg10 : memref<!tpu.dma_semaphore, #tpu.memory_space<semaphore_mem>>) src(%arg5 : memref<4x8192xf32, #tpu.memory_space<vmem>>) dst(%dma_wait3A_80 : memref<4x8192xf32, #tpu.memory_space<hbm>>)
    return
  }
}

</mosaic_0001>

<sc_bundles>
// kernel: kernel.3.cloned.1.call-start
scs
__scs_entry_jumppad:
0x0: {  	(pc) =	sbr.rel $0x88, $3  }
0x1: {  	(tag) =	ssettag $0x0;
	lr =	simm.s32 $0x1  }
0x2: {  	[smem:$0x3F9F] =	sst lr;
	_ =	strace $0xD0000000  }
0x3: {  	_ = 	snop  }
0x4: {  	_ = 	snop  }
0x5: {  	_ = 	snop  }
0x6: {  	_ = 	snop  }
0x7: {  	_ = 	snop  }
__scs_overlays_trampoline_lowered:
0x8: {  	[smem:$0x3FAE] =	sst s0  }
0x9: {  	[smem:$0x3FAF] =	sst s1  }
0xa: {  	[smem:$0x3FB0] =	sst s2  }
0xb: {  	[smem:$0x3FB1] =	sst s3  }
0xc: {  	[smem:$0x3FB2] =	sst s4  }
0xd: {  	[smem:$0x3FB3] =	sst s5  }
0xe: {  	[smem:$0x3FB4] =	sst s6  }
0xf: {  	[smem:$0x3FB5] =	sst s7  }
0x10: {  	[smem:$0x3FB6] =	sst s8  }
0x11: {  	[smem:$0x3FB7] =	sst s9;
	s0 =	simm.s32 @!p0 $0x0  }
0x12: {  	s1 =	sld [smem:$0x3F9D];
	s0 =	simm.s32 @p0 $0x1  }
0x13: {  	[smem:$0x3FB8] =	sst s0;
	s0 =	simm.s32 @!p1 $0x0  }
0x14: {  	s2 =	sld [smem:$0x3F9C];
	s0 =	simm.s32 @p1 $0x1  }
0x15: {  	[smem:$0x3FB9] =	sst s0;
	s0 =	simm.s32 @!p2 $0x0  }
0x16: {  	s3 =	sld [smem:$0x3FDB];
	s0 =	simm.s32 @p2 $0x1  }
0x17: {  	s4 =	simm.s32 $0x1BF5;
	[smem:$0x3FBB] =	sst s0  }
0x18: {  	s0 =	sld [smem:$0x3F9E];
	_ =	swait.ge [sflag:s4], $0x0  }
0x19: {  	s7 =	sld [smem:$0x3F9F]  }
0x1a: {  	s8 =	sadd.s32 $0xFFFFE003, lr  }
0x1b: {  	s9 =	sadd.s32 $0xFFFFFEF7, lr;
	s5 =	simm.s32 $0xFFFFFFFF;
	p2 =	slt.u32 s8, $0xFFFFF086  }
0x1c: {  	p1 =	slt.u32 s9, $0xF7A;
	s5 =	simm.s32 @!p2 $0x0  }
0x1d: {  	s5 =	simm.s32 @p1 $0x1;
	p0 =	seq.s32 s7, s2  }
0x1e: {  	s7 =	smul.u32 @!p0 $0xF7A, s2;
	p2 =	seq.s32 @!p0 s5, $0x0  }
0x1f: {  	s9 =	smul.u32 $0xF7A, s1;
	s8 =	simm.s32 @!p0 $0x1BF5;
	p2 =	por !p2, p0  }
0x20: {  	[sflag:s8] =	ssyncset.s32 @!p0 $0xFFFFF086;
	s6 =	sadd.s32 @!p0 s3, s7;
	s7 =	simm.s32 @!p0 $0x108  }
0x21: {  	s3 =	sadd.s32 s3, s9;
	s6 =	sadd.s32 @!p0 $0x88, s6;
	s7 =	simm.s32 @p2 $0x1082  }
0x22: {  	[simem:s7], [sflag:s8] =	dma.local @!p0 [hbm:s6], $0xF7A  }
0x23: {  	s9 =	sor.u32 $0xD0000000, s2;
	s6 =	simm.s32 $0x108;
	_ =	swait.ge @!p0 [sflag:s8], $0x0  }
0x24: {  	s3 =	sadd.s32 $0x88, s3;
	s6 =	simm.s32 @!p1 $0x1082;
	[sflag:s4] =	ssyncset.s32 $0xFFFFF086  }
0x25: {  	[simem:s6], [sflag:s4] =	dma.local [hbm:s3], $0xF7A  }
0x26: {  	[smem:$0x3F9F] =	sst s1;
	(tag) =	ssettag s2;
	_ =	strace s9  }
0x27: {  	s1 =	sld [smem:$0x3FAF]  }
0x28: {  	s2 =	sld [smem:$0x3FB0]  }
0x29: {  	s4 =	sld [smem:$0x3FB2]  }
0x2a: {  	p0 =	seq.s32 s5, $0x0;
	s5 =	sld [smem:$0x3FB3]  }
0x2b: {  	s6 =	sld [smem:$0x3FB4]  }
0x2c: {  	s7 =	sld [smem:$0x3FB5]  }
0x2d: {  	s3 =	simm.s32 $0x108;
	s8 =	sld [smem:$0x3FB6]  }
0x2e: {  	s3 =	simm.s32 @!p0 $0x1082;
	s9 =	sld [smem:$0x3FB7]  }
0x2f: {  	lr =	sadd.s32 s0, s3;
	s0 =	sld [smem:$0x3FAE]  }
0x30: {  	s3 =	sld [smem:$0x3FB1]  }
0x31: {  	[smem:$0x3FBA] =	sst s10  }
0x32: {  	s10 =	sld [smem:$0x3FB8];
	_ =	sdelay $0x3  }
0x33: {  	p0 =	seq.s32 s10, $0x1;
	s10 =	sld [smem:$0x3FBA];
	_ =	sdelay $0x3  }
0x34: {  	[smem:$0x3FBA] =	sst s10  }
0x35: {  	s10 =	sld [smem:$0x3FB9];
	_ =	sdelay $0x3  }
0x36: {  	p1 =	seq.s32 s10, $0x1;
	s10 =	sld [smem:$0x3FBA];
	_ =	sdelay $0x3  }
0x37: {  	[smem:$0x3FBA] =	sst s10  }
0x38: {  	s10 =	sld [smem:$0x3FBB]  }
0x39: {  	_ = 	snop;
	(pc) =	sbr.ind lr, $3  }
0x3a: {  	_ = 	snop  }
0x3b: {  	_ = 	snop  }
0x3c: {  	p2 =	seq.s32 s10, $0x1;
	s10 =	sld [smem:$0x3FBA]  }
0x3d: {  	_ =	shalt  }
0x3e: {  	_ =	shalt  }
0x3f: {  	_ =	shalt  }
0x40: {  	_ =	shalt  }
0x41: {  	_ =	shalt  }
0x42: {  	_ =	shalt  }
0x43: {  	_ =	shalt  }
0x44: {  	_ =	shalt  }
0x45: {  	_ =	shalt  }
0x46: {  	_ =	shalt  }
0x47: {  	_ =	shalt  }
0x48: {  	_ =	shalt  }
0x49: {  	_ =	shalt  }
0x4a: {  	_ =	shalt  }
0x4b: {  	_ =	shalt  }
0x4c: {  	_ =	shalt  }
0x4d: {  	_ =	shalt  }
0x4e: {  	_ =	shalt  }
0x4f: {  	_ =	shalt  }
0x50: {  	_ =	shalt  }
0x51: {  	_ =	shalt  }
0x52: {  	_ =	shalt  }
0x53: {  	_ =	shalt  }
0x54: {  	_ =	shalt  }
0x55: {  	_ =	shalt  }
0x56: {  	_ =	shalt  }
0x57: {  	_ =	shalt  }
0x58: {  	_ =	shalt  }
0x59: {  	_ =	shalt  }
0x5a: {  	_ =	shalt  }
0x5b: {  	_ =	shalt  }
0x5c: {  	_ =	shalt  }
0x5d: {  	_ =	shalt  }
0x5e: {  	_ =	shalt  }
0x5f: {  	_ =	shalt  }
0x60: {  	_ =	shalt  }
0x61: {  	_ =	shalt  }
0x62: {  	_ =	shalt  }
0x63: {  	_ =	shalt  }
0x64: {  	_ =	shalt  }
0x65: {  	_ =	shalt  }
0x66: {  	_ =	shalt  }
0x67: {  	_ =	shalt  }
0x68: {  	_ =	shalt  }
0x69: {  	_ =	shalt  }
0x6a: {  	_ =	shalt  }
0x6b: {  	_ =	shalt  }
0x6c: {  	_ =	shalt  }
0x6d: {  	_ =	shalt  }
0x6e: {  	_ =	shalt  }
0x6f: {  	_ =	shalt  }
0x70: {  	_ =	shalt  }
0x71: {  	_ =	shalt  }
0x72: {  	_ =	shalt  }
0x73: {  	_ =	shalt  }
0x74: {  	_ =	shalt  }
0x75: {  	_ =	shalt  }
0x76: {  	_ =	shalt  }
0x77: {  	_ =	shalt  }
0x78: {  	_ =	shalt  }
0x79: {  	_ =	shalt  }
0x7a: {  	_ =	shalt  }
0x7b: {  	_ =	shalt  }
0x7c: {  	_ =	shalt  }
0x7d: {  	_ =	shalt  }
0x7e: {  	_ =	shalt  }
0x7f: {  	_ =	shalt  }
0x80: {  	_ =	shalt  }
0x81: {  	_ =	shalt  }
0x82: {  	_ =	shalt  }
0x83: {  	_ =	shalt  }
0x84: {  	_ =	shalt  }
0x85: {  	_ =	shalt  }
0x86: {  	_ =	shalt  }
0x87: {  	_ =	shalt  }
.Lfunc_end0:
.L_simem_size_0:
called_computation_lowered:
.L_overlay_start_0:
0x88: {  	s2 =	sld [smem:$0x3FD9]  }
0x89: {  	s3 =	sld [smem:$0x3FFE];
	_ =	sdelay $0x1  }
0x8a: {  	s1 =	srdreg.scid  }
0x8b: {  	s0 =	sand.u32 $0x1, s1  }
0x8c: {  	s18 =	sshll.u32 s0, $0xA;
	s2 =	sadd.s32 s3, s2  }
0x8d: {  	s2 =	sadd.s32 s2, s18  }
0x8e: {  	[smem:$0x3FC6] =	sst s2  }
0x8f: {  	_ = 	snop  }
0x90: {  	s2 =	sld [smem:$0x3FC9]  }
0x91: {  	s19 =	sld [smem:$0x3FC8]  }
0x92: {  	s4 =	sld [smem:$0x3FD0];
	(tm) =	ssettm $0x1  }
0x93: {  	s5 =	sld [smem:$0x3FFB];
	_ =	sdelay $0x3  }
0x94: {  	_ =	strace s5  }
0x95: {  	s5 =	sld [smem:$0x3FFC];
	_ =	sdelay $0x3  }
0x96: {  	_ =	strace s5  }
0x97: {  	s5 =	sld [smem:$0x3FFD];
	_ =	sdelay $0x3  }
0x98: {  	_ =	strace s5  }
0x99: {  	_ =	strace $0x8FFFFFFF  }
0x9a: {  	s20 =	sld [smem:$0x3FDB];
	_ =	sdelay $0x1  }
0x9b: {  	s6 =	simm.s32 $_scs_section_size  }
0x9c: {  	s7 =	simm.s32 $_size__tile_overlayer_lowered;
	s8 =	simm.s32 $_tile_overlayer_lowered  }
0x9d: {  	s23 =	simm.s32 $0x1BFF;
	s22 =	sshll.u32 s8, $0x1;
	s5 =	sadd.s32 s6, s20  }
0x9e: {  	s9 =	simm.s32 $0x0;
	s21 =	sshll.u32 s7, $0x1;
	s7 =	sadd.s32 s22, s5  }
0x9f: {  	[timem:s9], [sflag:s23] =	dma.local [hbm:s7], s21  }
0xa0: {  	_ =	swait.ge [sflag:s23], s21  }
0xa1: {  	s6 =	ssub.s32 $0x0, s21;
	[sflag:s23] =	ssyncset.done $0x0  }
0xa2: {  	[sflag:s23] =	ssyncadd.s32 s6;
	_ =	sdelay $0x1  }
0xa3: {  	s24 =	simm.s32 $0x1B8B  }
0xa4: {  	_ =	swait.ge [sflag:s24], $0x1  }
0xa5: {  	[sflag:s24] =	ssyncset.done $0x0  }
0xa6: {  	s25 =	simm.s32 $0x1B8E;
	[sflag:s24] =	ssyncadd.s32 $0xFFFFFFFF  }
0xa7: {  	s26 =	simm.s32 $execute0_lowered;
	[smem:$0x3FD2] =	sst s25  }
0xa8: {  	s6 =	sshll.u32 s26, $0x1;
	_ =	strace $0x80000046;
	[dreg:$0x1] =	wrdreg $0xFFFFFFFF  }
0xa9: {  	s28 =	simm.s32 $_size_execute0_lowered;
	s5 =	sadd.s32 s5, s6;
	[dreg:$0x0] =	wrdreg $0x0  }
0xaa: {  	s6 =	sshll.u32 s28, $0x1;
	[dreg:$0x2] =	wrdreg s5  }
0xab: {  	[dreg:$0x3] =	wrdreg s6  }
0xac: {  	[dreg:$0x4] =	wrdreg $0xC0  }
0xad: {  	_ =	task [dreg:s9], $0x5FFFF  }
0xae: {  	[dreg:$0x1] =	wrdreg $0xFFFFFFFF  }
0xaf: {  	[dreg:$0x0] =	wrdreg $0x60  }
0xb0: {  	[dreg:$0x2] =	wrdreg s2  }
0xb1: {  	[dreg:$0x3] =	wrdreg s19  }
0xb2: {  	[dreg:$0x4] =	wrdreg s4  }
0xb3: {  	[dreg:$0x5] =	wrdreg $0x9  }
0xb4: {  	_ =	task.clear_ibuf [dreg:s9], $0x6FFFF;
	_ =	strace $0x90000046  }
0xb5: {  	s29 =	simm.s32 $0x9;
	_ =	strace $0x80000048  }
0xb6: {  	_ =	swait.ge [sflag:s29], $0x1  }
0xb7: {  	[sflag:s29] =	ssyncadd.s32 $0xFFFFFFFF  }
0xb8: {  	_ =	strace $0x90000048  }
0xb9: {  	_ =	sfence  }
0xba: {  	s30 =	sld [smem:$0x0];
	_ =	sdelay $0x2  }
0xbb: {  	s31 =	sshll.u32 s1, $0xD;
	s1 =	sshrl.u32 s1, $0x2  }
0xbc: {  	s3 =	sand.u32 $0x4000, s31;
	s1 =	sadd.s32 s1, s30  }
0xbd: {  	s0 =	sor.u32 s3, s0;
	s1 =	sshll.u32 s1, $0x11  }
0xbe: {  	s0 =	sor.u32 s1, s0  }
0xbf: {  	s0 =	sadd.s32 $0x8F2B, s0  }
0xc0: {  	[sflag:s0] =	ssyncadd.remote.s32 $0x1  }
0xc1: {  	_ =	sfence.sel $0xFFFF  }
0xc2: {  	[dreg:$0x0] =	wrdreg $0xFFFFFFFF;
	(pc) =	sbr.abs _section_cstart, $3  }
0xc3: {  	[dreg:$0x1] =	wrdreg $0xFFFFFFFF  }
0xc4: {  	_ =	task.clear_ibuf [dreg:s9], $0x2FFFF;
	_ =	strace $0x9FFFFFFF  }
0xc5: {  	(tm) =	ssettm $0x7FFFFFFF  }
tec
execute0_lowered:
.L_overlay_start_1:
0x0: {  	(tag) =	ssettag $0x1  }
0x1: {  	v0 =	vlaneseq.u32;
	v1 =	vimm.f32 $0.0e+00  }
0x2: {  	v4 =	vimm.s32 $0x18180;
	vm0 =	vcmask $0x300;
	v5 =	vimm.s32 $0x180  }
0x3: {  	vm1 =	vcmask $0x704;
	v3 =	vand.u32 $0x3, v0;
	v2 =	vadd.s32 $0x1, v0  }
0x4: {  	s5 =	rddreg [dreg:$0x0];
	v4 =	vsel vm0, $0x0, v4;
	v5 =	vsel vm0, $0xFFFE8000, v5;
	vm0 =	vcmask $0xB08  }
0x5: {  	s4 =	rddreg [dreg:$0x1];
	v3 =	vmul.u32 $0x80, v3;
	v4 =	vsel vm1, $0x80, v4;
	v5 =	vsel vm1, $0xFFFE8080, v5  }
0x6: {  	s1 =	rddreg [dreg:$0x2];
	vm1 =	vcmask $0xF0C;
	v4 =	vsel vm0, $0x100, v4;
	v5 =	vsel vm0, $0xFFFE8100, v5  }
0x7: {  	s0 =	rddreg [dreg:$0x3];
	s6 =	srdreg.scid;
	vm0 =	vcmask $0x1310;
	v4 =	vsel vm1, $0x180, v4;
	v5 =	vsel vm1, $0xFFFE8180, v5  }
0x8: {  	s3 =	simm.s32 $0x0;
	s2 =	stileid.u32;
	s11 =	simm.s32 $0x18100;
	vm1 =	vcmask $0x1714;
	v4 =	vsel vm0, $0x8000, v4;
	v5 =	vsel vm0, $0xFFFF0000, v5  }
0x9: {  	s12 =	simm.s32 $0x200;
	s13 =	simm.s32 $0x400;
	s14 =	simm.s32 $0x8000;
	vm0 =	vcmask $0x1B18;
	v4 =	vsel vm1, $0x8080, v4;
	v5 =	vsel vm1, $0xFFFF0080, v5  }
0xa: {  	s15 =	simm.s32 $0x10000;
	s16 =	simm.s32 $0x1;
	s17 =	simm.s32 $0x2;
	vm1 =	vcmask $0x1F1C;
	v4 =	vsel vm0, $0x8100, v4;
	v5 =	vsel vm0, $0xFFFF0100, v5  }
0xb: {  	s18 =	simm.s32 $0x3;
	s19 =	simm.s32 $0x0;
	s6 =	sand.u32 $0x1, s6;
	vm0 =	vcmask $0x2320;
	v4 =	vsel vm1, $0x8180, v4;
	v5 =	vsel vm1, $0xFFFF0180, v5  }
0xc: {  	s8 =	sshll.u32 s2, $0x9;
	[smem:$0x7FF] =	sst s3;
	s29 =	sshll.u32 s2, $0x13;
	vm1 =	vcmask $0x2724;
	v4 =	vsel vm0, $0x10000, v4;
	v5 =	vsel vm0, $0xFFFF8000, v5  }
0xd: {  	s7 =	ssub.s32 $0x2, s6;
	s9 =	sshll.u32 s6, $0x8;
	_ =	strace $0x80000047;
	vm0 =	vcmask $0x2B28;
	v4 =	vsel vm1, $0x10080, v4;
	v5 =	vsel vm1, $0xFFFF8080, v5  }
0xe: {  	s30 =	sshll.u32 s6, $0x12;
	s10 =	sshrl.u32 s7, $0x1;
	s8 =	sor.u32 s9, s8;
	vm1 =	vcmask $0x2F2C;
	v4 =	vsel vm0, $0x10100, v4;
	v5 =	vsel vm0, $0xFFFF8100, v5  }
0xf: {  	s31 =	sor.u32 s30, s29;
	s7 =	ssub.s32 s7, s10;
	s9 =	sshrl.u32 s8, $0x3;
	vm0 =	vcmask $0x3330;
	v4 =	vsel vm1, $0x10180, v4;
	v5 =	vsel vm1, $0xFFFF8180, v5  }
0x10: {  	s8 =	sshll.u32 s8, $0xA;
	s10 =	simm.s32 $0x4;
	s4 =	sadd.s32 s4, s9;
	vm1 =	vcmask $0x3734;
	v4 =	vsel vm0, $0x18000, v4;
	v5 =	vsel vm0, $0x0, v5  }
0x11: {  	s5 =	sadd.s32 s5, s9;
	s8 =	sadd.s32 s8, s1;
	s7 =	smax.u32 s7, $0x1;
	vm0 =	vcmask $0x3B38;
	v4 =	vsel vm1, $0x18080, v4;
	v5 =	vsel vm1, $0x80, v5  }
0x12: {  	s9 =	simm.s32 $0x18000;
	s6 =	sadd.s32 $0x3E040, s8;
	s8 =	sor.u32 $0x2000, s31;
	v4 =	vsel vm0, $0x18100, v4;
	v5 =	vsel vm0, $0x100, v5;
	vm0 =	vcmask $0x3F30  }
.LBB2_1:
0x13: {  	[tilespmem:s9], [sflag:$0x4] =	stream.linear.gather [hbm4b:s4+s3], $0x100, $0x38;
	[tilespmem:$0x18200] =	vst v63  }
0x14: {  	_ =	swait.ge [sflag:s10], $0x100  }
0x15: {  	[sflag:s10] =	ssyncset.done $0x0  }
0x16: {  	[sflag:s10] =	ssyncadd.s32 $0xFFFFFF00  }
0x17: {  	[tilespmem:s11], [sflag:$0x4] =	stream.linear.gather [hbm4b:s5+s3], $0x100, $0x38;
	[tilespmem:$0x18200] =	vst v63  }
0x18: {  	_ =	swait.ge [sflag:s10], $0x100  }
0x19: {  	[sflag:s10] =	ssyncset.done $0x0  }
0x1a: {  	s20 =	simm.s32 $0x0;
	s21 =	simm.s32 $0x800;
	[sflag:s10] =	ssyncadd.s32 $0xFFFFFF00  }
.LBB2_2:
0x1b: {  	p0 =	sne.s32 s21, $0x1F800;
	[tilespmem:s20+$0x101F0] =	vst v1  }
0x1c: {  	[tilespmem:s20+$0x0] =	vst v1  }
0x1d: {  	[tilespmem:s20+$0x8000] =	vst v1  }
0x1e: {  	[tilespmem:s20+$0x10000] =	vst v1  }
0x1f: {  	[tilespmem:s20+$0x10] =	vst v1  }
0x20: {  	[tilespmem:s20+$0x8010] =	vst v1  }
0x21: {  	[tilespmem:s20+$0x10010] =	vst v1  }
0x22: {  	[tilespmem:s20+$0x20] =	vst v1  }
0x23: {  	[tilespmem:s20+$0x8020] =	vst v1  }
0x24: {  	[tilespmem:s20+$0x10020] =	vst v1  }
0x25: {  	[tilespmem:s20+$0x30] =	vst v1  }
0x26: {  	[tilespmem:s20+$0x8030] =	vst v1  }
0x27: {  	[tilespmem:s20+$0x10030] =	vst v1  }
0x28: {  	[tilespmem:s20+$0x40] =	vst v1  }
0x29: {  	[tilespmem:s20+$0x8040] =	vst v1  }
0x2a: {  	[tilespmem:s20+$0x10040] =	vst v1  }
0x2b: {  	[tilespmem:s20+$0x50] =	vst v1  }
0x2c: {  	[tilespmem:s20+$0x8050] =	vst v1  }
0x2d: {  	[tilespmem:s20+$0x10050] =	vst v1  }
0x2e: {  	[tilespmem:s20+$0x60] =	vst v1  }
0x2f: {  	[tilespmem:s20+$0x8060] =	vst v1  }
0x30: {  	[tilespmem:s20+$0x10060] =	vst v1  }
0x31: {  	[tilespmem:s20+$0x70] =	vst v1  }
0x32: {  	[tilespmem:s20+$0x8070] =	vst v1  }
0x33: {  	[tilespmem:s20+$0x10070] =	vst v1  }
0x34: {  	[tilespmem:s20+$0x80] =	vst v1  }
0x35: {  	[tilespmem:s20+$0x8080] =	vst v1  }
0x36: {  	[tilespmem:s20+$0x10080] =	vst v1  }
0x37: {  	[tilespmem:s20+$0x90] =	vst v1  }
0x38: {  	[tilespmem:s20+$0x8090] =	vst v1  }
0x39: {  	[tilespmem:s20+$0x10090] =	vst v1  }
0x3a: {  	[tilespmem:s20+$0xA0] =	vst v1  }
0x3b: {  	[tilespmem:s20+$0x80A0] =	vst v1  }
0x3c: {  	[tilespmem:s20+$0x100A0] =	vst v1  }
0x3d: {  	[tilespmem:s20+$0xB0] =	vst v1  }
0x3e: {  	[tilespmem:s20+$0x80B0] =	vst v1  }
0x3f: {  	[tilespmem:s20+$0x100B0] =	vst v1  }
0x40: {  	[tilespmem:s20+$0xC0] =	vst v1  }
0x41: {  	[tilespmem:s20+$0x80C0] =	vst v1  }
0x42: {  	[tilespmem:s20+$0x100C0] =	vst v1  }
0x43: {  	[tilespmem:s20+$0xD0] =	vst v1  }
0x44: {  	[tilespmem:s20+$0x80D0] =	vst v1  }
0x45: {  	[tilespmem:s20+$0x100D0] =	vst v1  }
0x46: {  	[tilespmem:s20+$0xE0] =	vst v1  }
0x47: {  	[tilespmem:s20+$0x80E0] =	vst v1  }
0x48: {  	[tilespmem:s20+$0x100E0] =	vst v1  }
0x49: {  	[tilespmem:s20+$0xF0] =	vst v1  }
0x4a: {  	[tilespmem:s20+$0x80F0] =	vst v1  }
0x4b: {  	[tilespmem:s20+$0x100F0] =	vst v1  }
0x4c: {  	[tilespmem:s20+$0x100] =	vst v1  }
0x4d: {  	[tilespmem:s20+$0x8100] =	vst v1  }
0x4e: {  	[tilespmem:s20+$0x10100] =	vst v1  }
0x4f: {  	[tilespmem:s20+$0x110] =	vst v1  }
0x50: {  	[tilespmem:s20+$0x8110] =	vst v1  }
0x51: {  	[tilespmem:s20+$0x10110] =	vst v1  }
0x52: {  	[tilespmem:s20+$0x120] =	vst v1  }
0x53: {  	[tilespmem:s20+$0x8120] =	vst v1  }
0x54: {  	[tilespmem:s20+$0x10120] =	vst v1  }
0x55: {  	[tilespmem:s20+$0x130] =	vst v1  }
0x56: {  	[tilespmem:s20+$0x8130] =	vst v1  }
0x57: {  	[tilespmem:s20+$0x10130] =	vst v1  }
0x58: {  	[tilespmem:s20+$0x140] =	vst v1  }
0x59: {  	[tilespmem:s20+$0x8140] =	vst v1  }
0x5a: {  	[tilespmem:s20+$0x10140] =	vst v1  }
0x5b: {  	[tilespmem:s20+$0x150] =	vst v1  }
0x5c: {  	[tilespmem:s20+$0x8150] =	vst v1  }
0x5d: {  	[tilespmem:s20+$0x10150] =	vst v1  }
0x5e: {  	[tilespmem:s20+$0x160] =	vst v1  }
0x5f: {  	[tilespmem:s20+$0x8160] =	vst v1  }
0x60: {  	[tilespmem:s20+$0x10160] =	vst v1  }
0x61: {  	[tilespmem:s20+$0x170] =	vst v1  }
0x62: {  	[tilespmem:s20+$0x8170] =	vst v1  }
0x63: {  	[tilespmem:s20+$0x10170] =	vst v1  }
0x64: {  	[tilespmem:s20+$0x180] =	vst v1  }
0x65: {  	[tilespmem:s20+$0x8180] =	vst v1  }
0x66: {  	[tilespmem:s20+$0x10180] =	vst v1  }
0x67: {  	[tilespmem:s20+$0x190] =	vst v1  }
0x68: {  	[tilespmem:s20+$0x8190] =	vst v1  }
0x69: {  	[tilespmem:s20+$0x10190] =	vst v1  }
0x6a: {  	[tilespmem:s20+$0x1A0] =	vst v1  }
0x6b: {  	[tilespmem:s20+$0x81A0] =	vst v1  }
0x6c: {  	[tilespmem:s20+$0x101A0] =	vst v1  }
0x6d: {  	[tilespmem:s20+$0x1B0] =	vst v1  }
0x6e: {  	[tilespmem:s20+$0x81B0] =	vst v1  }
0x6f: {  	[tilespmem:s20+$0x101B0] =	vst v1  }
0x70: {  	[tilespmem:s20+$0x1C0] =	vst v1  }
0x71: {  	[tilespmem:s20+$0x81C0] =	vst v1  }
0x72: {  	[tilespmem:s20+$0x101C0] =	vst v1  }
0x73: {  	[tilespmem:s20+$0x1D0] =	vst v1  }
0x74: {  	[tilespmem:s20+$0x81D0] =	vst v1  }
0x75: {  	[tilespmem:s20+$0x101D0] =	vst v1  }
.Ltmp0:
0x76: {  	[tilespmem:s20+$0x1E0] =	vst v1;
	(pc) =	sbr.rel @p0 .LBB2_2-.Ltmp0, $4  }
0x77: {  	[tilespmem:s20+$0x81E0] =	vst v1  }
0x78: {  	[tilespmem:s20+$0x101E0] =	vst v1  }
0x79: {  	[tilespmem:s20+$0x1F0] =	vst v1  }
0x7a: {  	[tilespmem:s20+$0x81F0] =	vst v1;
	s20 =	sshra.s32 s21, $0x2;
	s21 =	sadd.s32 $0x800, s21  }
0x7b: {  	[tilespmem:s20+$0x101F0] =	vst v1  }
0x7c: {  	[tilespmem:s20+$0x0] =	vst v1  }
0x7d: {  	[tilespmem:s20+$0x8000] =	vst v1  }
0x7e: {  	[tilespmem:s20+$0x10000] =	vst v1  }
0x7f: {  	[tilespmem:s20+$0x10] =	vst v1  }
0x80: {  	[tilespmem:s20+$0x8010] =	vst v1  }
0x81: {  	[tilespmem:s20+$0x10010] =	vst v1  }
0x82: {  	[tilespmem:s20+$0x20] =	vst v1  }
0x83: {  	[tilespmem:s20+$0x8020] =	vst v1  }
0x84: {  	[tilespmem:s20+$0x10020] =	vst v1  }
0x85: {  	[tilespmem:s20+$0x30] =	vst v1  }
0x86: {  	[tilespmem:s20+$0x8030] =	vst v1  }
0x87: {  	[tilespmem:s20+$0x10030] =	vst v1  }
0x88: {  	[tilespmem:s20+$0x40] =	vst v1  }
0x89: {  	[tilespmem:s20+$0x8040] =	vst v1  }
0x8a: {  	[tilespmem:s20+$0x10040] =	vst v1  }
0x8b: {  	[tilespmem:s20+$0x50] =	vst v1  }
0x8c: {  	[tilespmem:s20+$0x8050] =	vst v1  }
0x8d: {  	[tilespmem:s20+$0x10050] =	vst v1  }
0x8e: {  	[tilespmem:s20+$0x60] =	vst v1  }
0x8f: {  	[tilespmem:s20+$0x8060] =	vst v1  }
0x90: {  	[tilespmem:s20+$0x10060] =	vst v1  }
0x91: {  	[tilespmem:s20+$0x70] =	vst v1  }
0x92: {  	[tilespmem:s20+$0x8070] =	vst v1  }
0x93: {  	[tilespmem:s20+$0x10070] =	vst v1  }
0x94: {  	[tilespmem:s20+$0x80] =	vst v1  }
0x95: {  	[tilespmem:s20+$0x8080] =	vst v1  }
0x96: {  	[tilespmem:s20+$0x10080] =	vst v1  }
0x97: {  	[tilespmem:s20+$0x90] =	vst v1  }
0x98: {  	[tilespmem:s20+$0x8090] =	vst v1  }
0x99: {  	[tilespmem:s20+$0x10090] =	vst v1  }
0x9a: {  	[tilespmem:s20+$0xA0] =	vst v1  }
0x9b: {  	[tilespmem:s20+$0x80A0] =	vst v1  }
0x9c: {  	[tilespmem:s20+$0x100A0] =	vst v1  }
0x9d: {  	[tilespmem:s20+$0xB0] =	vst v1  }
0x9e: {  	[tilespmem:s20+$0x80B0] =	vst v1  }
0x9f: {  	[tilespmem:s20+$0x100B0] =	vst v1  }
0xa0: {  	[tilespmem:s20+$0xC0] =	vst v1  }
0xa1: {  	[tilespmem:s20+$0x80C0] =	vst v1  }
0xa2: {  	[tilespmem:s20+$0x100C0] =	vst v1  }
0xa3: {  	[tilespmem:s20+$0xD0] =	vst v1  }
0xa4: {  	[tilespmem:s20+$0x80D0] =	vst v1  }
0xa5: {  	[tilespmem:s20+$0x100D0] =	vst v1  }
0xa6: {  	[tilespmem:s20+$0xE0] =	vst v1  }
0xa7: {  	[tilespmem:s20+$0x80E0] =	vst v1  }
0xa8: {  	[tilespmem:s20+$0x100E0] =	vst v1  }
0xa9: {  	[tilespmem:s20+$0xF0] =	vst v1  }
0xaa: {  	[tilespmem:s20+$0x80F0] =	vst v1  }
0xab: {  	[tilespmem:s20+$0x100F0] =	vst v1  }
0xac: {  	[tilespmem:s20+$0x100] =	vst v1  }
0xad: {  	[tilespmem:s20+$0x8100] =	vst v1  }
0xae: {  	[tilespmem:s20+$0x10100] =	vst v1  }
0xaf: {  	[tilespmem:s20+$0x110] =	vst v1  }
0xb0: {  	[tilespmem:s20+$0x8110] =	vst v1  }
0xb1: {  	[tilespmem:s20+$0x10110] =	vst v1  }
0xb2: {  	[tilespmem:s20+$0x120] =	vst v1  }
0xb3: {  	[tilespmem:s20+$0x8120] =	vst v1  }
0xb4: {  	[tilespmem:s20+$0x10120] =	vst v1  }
0xb5: {  	[tilespmem:s20+$0x130] =	vst v1  }
0xb6: {  	[tilespmem:s20+$0x8130] =	vst v1  }
0xb7: {  	[tilespmem:s20+$0x10130] =	vst v1  }
0xb8: {  	[tilespmem:s20+$0x140] =	vst v1  }
0xb9: {  	[tilespmem:s20+$0x8140] =	vst v1  }
0xba: {  	[tilespmem:s20+$0x10140] =	vst v1  }
0xbb: {  	[tilespmem:s20+$0x150] =	vst v1  }
0xbc: {  	[tilespmem:s20+$0x8150] =	vst v1  }
0xbd: {  	[tilespmem:s20+$0x10150] =	vst v1  }
0xbe: {  	[tilespmem:s20+$0x160] =	vst v1  }
0xbf: {  	[tilespmem:s20+$0x8160] =	vst v1  }
0xc0: {  	[tilespmem:s20+$0x10160] =	vst v1  }
0xc1: {  	[tilespmem:s20+$0x170] =	vst v1  }
0xc2: {  	[tilespmem:s20+$0x8170] =	vst v1  }
0xc3: {  	[tilespmem:s20+$0x10170] =	vst v1  }
0xc4: {  	[tilespmem:s20+$0x180] =	vst v1  }
0xc5: {  	[tilespmem:s20+$0x8180] =	vst v1  }
0xc6: {  	[tilespmem:s20+$0x10180] =	vst v1  }
0xc7: {  	[tilespmem:s20+$0x190] =	vst v1  }
0xc8: {  	[tilespmem:s20+$0x8190] =	vst v1  }
0xc9: {  	[tilespmem:s20+$0x10190] =	vst v1  }
0xca: {  	[tilespmem:s20+$0x1A0] =	vst v1  }
0xcb: {  	[tilespmem:s20+$0x81A0] =	vst v1  }
0xcc: {  	[tilespmem:s20+$0x101A0] =	vst v1  }
0xcd: {  	[tilespmem:s20+$0x1B0] =	vst v1  }
0xce: {  	[tilespmem:s20+$0x81B0] =	vst v1  }
0xcf: {  	[tilespmem:s20+$0x101B0] =	vst v1  }
0xd0: {  	[tilespmem:s20+$0x1C0] =	vst v1  }
0xd1: {  	[tilespmem:s20+$0x81C0] =	vst v1  }
0xd2: {  	[tilespmem:s20+$0x101C0] =	vst v1  }
0xd3: {  	[tilespmem:s20+$0x1D0] =	vst v1  }
0xd4: {  	[tilespmem:s20+$0x81D0] =	vst v1  }
0xd5: {  	[tilespmem:s20+$0x101D0] =	vst v1  }
0xd6: {  	[tilespmem:s20+$0x1E0] =	vst v1  }
0xd7: {  	[tilespmem:s20+$0x81E0] =	vst v1  }
0xd8: {  	[tilespmem:s20+$0x101E0] =	vst v1  }
0xd9: {  	[tilespmem:s20+$0x1F0] =	vst v1  }
0xda: {  	s21 =	simm.s32 $0x8;
	[tilespmem:s20+$0x81F0] =	vst v1;
	s20 =	simm.s32 $0x0  }
0xdb: {  	s22 =	simm.s32 $0xFFFFFFFD;
	s23 =	simm.s32 $0x40;
	s24 =	smov.u32 s8  }
.LBB2_4:
0xdc: {  	p0 =	seq.s32 s21, $0x8  }
0xdd: {  	s25 =	sand.u32 @!p0 $0x3, s22  }
0xde: {  	p1 =	seq.s32 @!p0 s21, $0x14;
	p2 =	sne.s32 @!p0 s25, $0x0  }
0xdf: {  	s26 =	simm.s32 @!p0 $0x1;
	p1 =	por @!p0 !p1, !p2  }
0xe0: {  	_ =	swait.ge @!p0 [sflag:s26], $0x8000;
	p1 =	por @!p0 !p1, !p1  }
0xe1: {  	[sflag:s26] =	ssyncset.done @!p0 $0x0;
	p1 =	por !p1, p0  }
0xe2: {  	s28 =	sshrl.u32 @!p0 s22, $0x2;
	[sflag:s26] =	ssyncadd.s32 @!p0 $0xFFFF8000;
	s26 =	simm.s32 @p1 $0x0  }
0xe3: {  	s26 =	ssub.s32 @!p0 s28, s26  }
0xe4: {  	s26 =	sshll.u32 @!p0 s26, $0x6  }
0xe5: {  	s26 =	sshra.s32 @!p0 s26, $0x2  }
0xe6: {  	v8 =	vld @!p0 [tilespmem:s26+$0x18000];
	_ =	sdelay $0x1  }
0xe7: {  	v6 =	vlaneseq.u32 @!p0;
	s25 =	sshll.u32 @!p0 s25, $0x2  }
0xe8: {  	v7 =	vadd.s32 @!p0 $0x1, v6;
	v9 =	vmov @!p0 s25;
	s25 =	sadd.s32 @!p0 $0x4, s25  }
0xe9: {  	v10 =	vsub.s32 @!p0 v6, v9;
	vm1 =	vlt.u32 @!p0 v9, v7;
	v9 =	vmov @!p0 s25  }
0xea: {  	vm2 =	vgt.u32 @!p0 v9, v6;
	v9 =	vshll.u32 @!p0 v10, $0xD;
	v10 =	vshll.u32 @!p0 v8, $0x2  }
0xeb: {  	v11 =	vand.u32 @!p0 $0x3, v6;
	v9 =	vand.u32 @!p0 $0xFFFF8000, v9;
	v10 =	vand.u32 @!p0 $0xFFFFFE00, v10  }
0xec: {  	v12 =	vand.u32 @!p0 $0x7F, v8;
	v8 =	vmul.u32 @!p0 $0x80, v11;
	v9 =	vadd.s32 @!p0 v9, v10  }
0xed: {  	vm1 =	vmand @!p0 vm1, vm2;
	v9 =	vor.u32 @!p0 v12, v9  }
0xee: {  	v9 =	vor.u32 @!p0 v8, v9;
	_ =	sdelay $0x3  }
0xef: {  	s30 =	sadd.s32 $0xFFFFFFF8, s21;
	s25 =	simm.s32 @!p0 $0x0;
	v10 =	vimm.f32 @!p0 $0.0e+00  }
0xf0: {  	s31 =	sand.u32 $0x1F0, s30;
	[tilespmem:v9+s25+$0x0] =	vst.idx.msk @!p0 vm1, v10  }
0xf1: {  	v9 =	vld [tilespmem:s31+$0x18000];
	_ =	sdelay $0x1  }
0xf2: {  	s26 =	sand.u32 $0xC, s30  }
0xf3: {  	v44 =	vmov s26  }
0xf4: {  	s26 =	sadd.s32 $0x4, s26;
	v45 =	vsub.s32 v0, v44  }
0xf5: {  	v14 =	vmov s26;
	v46 =	vshll.u32 v45, $0xD;
	v47 =	vshll.u32 v9, $0x2  }
0xf6: {  	vm2 =	vgt.u32 v14, v0;
	v11 =	vand.u32 $0xFFFF8000, v46;
	v13 =	vld [tilespmem:s31+$0x18100];
	v12 =	vand.u32 $0xFFFFFE00, v47  }
0xf7: {  	vm1 =	vlt.u32 v44, v2;
	v48 =	vand.u32 $0x7F, v9;
	v11 =	vadd.s32 v11, v12  }
0xf8: {  	vm1 =	vmand vm1, vm2;
	v11 =	vor.u32 v48, v11  }
0xf9: {  	v11 =	vor.u32 v3, v11;
	_ =	sdelay $0x1  }
0xfa: {  	v49 =	vsub.f32 $0.0e+00, v13  }
0xfb: {  	s29 =	sand.u32 $0x40, s20;
	s28 =	sadd.s32 $0xFFFFE000, s24;
	vm2 =	veq.s32 v9, $0x1  }
0xfc: {  	s30 =	sand.u32 $0xFFE000, s28;
	s25 =	sadd.s32 s1, s29;
	v9 =	vsel vm2, $0x0, v49  }
0xfd: {  	s26 =	sadd.s32 s30, s25;
	[tilespmem:v11+s3+$0x0] =	vst.idx.msk vm1, v9  }
0xfe: {  	[hbm4b:s26+s12] =	stream.strided.scatter [tilespmem:s3], [sflag:$0x1], $0x8000, s13, s12, $0x38;
	[tilespmem:$0x18200] =	vst v63  }
0xff: {  	s26 =	sadd.s32 @!p0 $0x1, s22  }
0x100: {  	s28 =	sshll.u32 @!p0 s26, $0x18  }
0x101: {  	s28 =	sshra.s32 @!p0 s28, $0x1F  }
0x102: {  	s28 =	sand.u32 @!p0 $0x3, s28  }
0x103: {  	s26 =	sadd.s32 @!p0 s28, s26  }
0x104: {  	s28 =	simm.s32 @!p0 $0x2;
	s26 =	sshll.u32 @!p0 s26, $0x18  }
0x105: {  	_ =	swait.ge @!p0 [sflag:s28], $0x8000;
	s26 =	sshra.s32 @!p0 s26, $0x18  }
0x106: {  	[sflag:s28] =	ssyncset.done @!p0 $0x0;
	s26 =	sshll.u32 @!p0 s26, $0x2  }
0x107: {  	[sflag:s28] =	ssyncadd.s32 @!p0 $0xFFFF8000;
	s26 =	sand.u32 @!p0 $0x3FFFFFF0, s26  }
0x108: {  	v9 =	vld @!p0 [tilespmem:s26+$0x18000]  }
0x109: {  	s26 =	sadd.s32 @!p0 $0xFFFFFFF0, s21  }
0x10a: {  	s26 =	sand.u32 @!p0 $0xC, s26  }
0x10b: {  	v11 =	vmov @!p0 s26  }
0x10c: {  	v12 =	vsub.s32 @!p0 v6, v11  }
0x10d: {  	s26 =	sadd.s32 @!p0 $0x4, s26;
	vm1 =	vlt.u32 @!p0 v11, v7;
	v11 =	vshll.u32 @!p0 v12, $0xD;
	v12 =	vshll.u32 @!p0 v9, $0x2  }
0x10e: {  	v13 =	vmov @!p0 s26;
	v11 =	vand.u32 @!p0 $0xFFFF8000, v11;
	v12 =	vand.u32 @!p0 $0xFFFFFE00, v12  }
0x10f: {  	vm2 =	vgt.u32 @!p0 v13, v6;
	v9 =	vand.u32 @!p0 $0x7F, v9;
	v11 =	vadd.s32 @!p0 v11, v12  }
0x110: {  	vm1 =	vmand @!p0 vm1, vm2;
	v9 =	vor.u32 @!p0 v9, v11  }
0x111: {  	v9 =	vor.u32 @!p0 v8, v9;
	_ =	sdelay $0x3  }
0x112: {  	s31 =	sadd.s32 $0xFFFFFFFC, s21;
	s26 =	simm.s32 @!p0 $0x8000  }
0x113: {  	s29 =	sand.u32 $0x3F0, s31;
	[tilespmem:v9+s26+$0x0] =	vst.idx.msk @!p0 vm1, v10  }
0x114: {  	v9 =	vld [tilespmem:s29+$0x18000];
	_ =	sdelay $0x1  }
0x115: {  	s28 =	sand.u32 $0xC, s31  }
0x116: {  	v50 =	vmov s28  }
0x117: {  	s28 =	sadd.s32 $0x4, s28;
	v51 =	vsub.s32 v0, v50  }
0x118: {  	v55 =	vmov s28;
	v52 =	vshll.u32 v51, $0xD;
	v53 =	vshll.u32 v9, $0x2  }
0x119: {  	vm2 =	vgt.u32 v55, v0;
	v11 =	vand.u32 $0xFFFF8000, v52;
	v54 =	vld [tilespmem:s29+$0x18100];
	v12 =	vand.u32 $0xFFFFFE00, v53  }
0x11a: {  	vm1 =	vlt.u32 v50, v2;
	v56 =	vand.u32 $0x7F, v9;
	v11 =	vadd.s32 v11, v12  }
0x11b: {  	vm1 =	vmand vm1, vm2;
	v11 =	vor.u32 v56, v11  }
0x11c: {  	v11 =	vor.u32 v3, v11;
	_ =	sdelay $0x1  }
0x11d: {  	v57 =	vsub.f32 $0.0e+00, v54  }
0x11e: {  	s30 =	sadd.s32 $0xFFFFF000, s24;
	s31 =	sand.u32 $0x40, s23;
	vm2 =	veq.s32 v9, $0x1  }
0x11f: {  	s28 =	sadd.s32 s1, s31;
	s26 =	sand.u32 $0xFFE000, s30;
	v9 =	vsel vm2, $0x0, v57  }
0x120: {  	s26 =	sadd.s32 s26, s28;
	[tilespmem:v11+s14+$0x0] =	vst.idx.msk vm1, v9  }
0x121: {  	[hbm4b:s26+s12] =	stream.strided.scatter [tilespmem:s14], [sflag:$0x2], $0x8000, s13, s12, $0x38;
	[tilespmem:$0x18200] =	vst v63  }
0x122: {  	s26 =	sadd.s32 @!p0 $0x2, s22  }
0x123: {  	s28 =	sshll.u32 @!p0 s26, $0x18  }
0x124: {  	s28 =	sshra.s32 @!p0 s28, $0x1F  }
0x125: {  	s28 =	sand.u32 @!p0 $0x3, s28  }
0x126: {  	s26 =	sadd.s32 @!p0 s28, s26  }
0x127: {  	s28 =	simm.s32 @!p0 $0x3;
	s26 =	sshll.u32 @!p0 s26, $0x18  }
0x128: {  	_ =	swait.ge @!p0 [sflag:s28], $0x8000;
	s26 =	sshra.s32 @!p0 s26, $0x18  }
0x129: {  	[sflag:s28] =	ssyncset.done @!p0 $0x0;
	s26 =	sshll.u32 @!p0 s26, $0x2  }
0x12a: {  	[sflag:s28] =	ssyncadd.s32 @!p0 $0xFFFF8000;
	s26 =	sand.u32 @!p0 $0x3FFFFFF0, s26  }
0x12b: {  	v9 =	vld @!p0 [tilespmem:s26+$0x18000]  }
0x12c: {  	s26 =	sadd.s32 @!p0 $0xFFFFFFF4, s21  }
0x12d: {  	s26 =	sand.u32 @!p0 $0xC, s26  }
0x12e: {  	v11 =	vmov @!p0 s26  }
0x12f: {  	v12 =	vsub.s32 @!p0 v6, v11  }
0x130: {  	s26 =	sadd.s32 @!p0 $0x4, s26;
	vm1 =	vlt.u32 @!p0 v11, v7;
	v7 =	vshll.u32 @!p0 v12, $0xD;
	v11 =	vshll.u32 @!p0 v9, $0x2  }
0x131: {  	v12 =	vmov @!p0 s26;
	v7 =	vand.u32 @!p0 $0xFFFF8000, v7;
	v11 =	vand.u32 @!p0 $0xFFFFFE00, v11  }
0x132: {  	vm2 =	vgt.u32 @!p0 v12, v6;
	v6 =	vand.u32 @!p0 $0x7F, v9;
	v7 =	vadd.s32 @!p0 v7, v11  }
0x133: {  	vm1 =	vmand @!p0 vm1, vm2;
	v6 =	vor.u32 @!p0 v6, v7  }
0x134: {  	v6 =	vor.u32 @!p0 v8, v6;
	_ =	sdelay $0x3  }
0x135: {  	s26 =	simm.s32 @!p0 $0x10000  }
0x136: {  	s29 =	sand.u32 $0x3F0, s21;
	[tilespmem:v6+s26+$0x0] =	vst.idx.msk @!p0 vm1, v10  }
0x137: {  	v6 =	vld [tilespmem:s29+$0x18000];
	_ =	sdelay $0x1  }
0x138: {  	s30 =	sand.u32 $0xC, s21  }
0x139: {  	v7 =	vmov s30  }
0x13a: {  	v58 =	vsub.s32 v0, v7  }
0x13b: {  	s28 =	sadd.s32 $0x4, s30;
	vm1 =	vlt.u32 v7, v2;
	v7 =	vshll.u32 v58, $0xD;
	v59 =	vshll.u32 v6, $0x2  }
0x13c: {  	v61 =	vmov s28;
	v60 =	vld [tilespmem:s29+$0x18100];
	v7 =	vand.u32 $0xFFFF8000, v7;
	v8 =	vand.u32 $0xFFFFFE00, v59  }
0x13d: {  	vm2 =	vgt.u32 v61, v0;
	v62 =	vand.u32 $0x7F, v6;
	v7 =	vadd.s32 v7, v8  }
0x13e: {  	vm1 =	vmand vm1, vm2;
	v7 =	vor.u32 v62, v7  }
0x13f: {  	s21 =	sadd.s32 $0xC, s21;
	v7 =	vor.u32 v3, v7  }
0x140: {  	p0 =	sne.s32 s21, $0x104  }
.Ltmp1:
0x141: {  	v63 =	vsub.f32 $0.0e+00, v60;
	(pc) =	sbr.rel @p0 .LBB2_4-.Ltmp1, $4  }
0x142: {  	vm2 =	veq.s32 v6, $0x1  }
0x143: {  	s20 =	sadd.s32 $0x40, s20;
	s23 =	sadd.s32 $0xC0, s23;
	s31 =	sand.u32 $0xFFE000, s24;
	v6 =	vsel vm2, $0x0, v63  }
0x144: {  	s24 =	sadd.s32 $0x3000, s24;
	s25 =	sadd.s32 s31, s25;
	s22 =	sadd.s32 $0x3, s22;
	[tilespmem:v7+s15+$0x0] =	vst.idx.msk vm1, v6  }
0x145: {  	[hbm4b:s25+s12] =	stream.strided.scatter [tilespmem:s15], [sflag:$0x3], $0x8000, s13, s12, $0x38;
	[tilespmem:$0x18200] =	vst v63  }
0x146: {  	_ =	swait.ge [sflag:s16], $0x8000  }
0x147: {  	[sflag:s16] =	ssyncset.done $0x0  }
0x148: {  	[sflag:s16] =	ssyncadd.s32 $0xFFFF8000  }
0x149: {  	v6 =	vld [tilespmem:$0x180F0];
	_ =	sdelay $0x4  }
0x14a: {  	v7 =	vshll.u32 v6, $0x2  }
0x14b: {  	v6 =	vand.u32 $0x7F, v6;
	v7 =	vand.u32 $0xFFFFFE00, v7  }
0x14c: {  	v6 =	vor.u32 v6, v7  }
0x14d: {  	v6 =	vadd.s32 v4, v6;
	_ =	sdelay $0x4  }
0x14e: {  	[tilespmem:v6+s3+$0x0] =	vst.idx.msk $0xf, v1  }
0x14f: {  	v6 =	vld [tilespmem:$0x180F0];
	_ =	sdelay $0x4  }
0x150: {  	v7 =	vld [tilespmem:$0x181F0];
	v8 =	vshll.u32 v6, $0x2  }
0x151: {  	v9 =	vand.u32 $0x7F, v6;
	v8 =	vand.u32 $0xFFFFFE00, v8  }
0x152: {  	v8 =	vor.u32 v9, v8  }
0x153: {  	v8 =	vadd.s32 v5, v8;
	_ =	sdelay $0x1  }
0x154: {  	v7 =	vsub.f32 $0.0e+00, v7  }
0x155: {  	vm1 =	veq.s32 v6, $0x1  }
0x156: {  	v6 =	vsel vm1, $0x0, v7  }
0x157: {  	[tilespmem:v8+s3+$0x0] =	vst.idx.msk vm0, v6  }
0x158: {  	[hbm4b:s6+s12] =	stream.strided.scatter [tilespmem:s3], [sflag:$0x1], $0x8000, s13, s12, $0x38;
	[tilespmem:$0x18200] =	vst v63  }
0x159: {  	_ =	swait.ge [sflag:s17], $0x8000  }
0x15a: {  	[sflag:s17] =	ssyncset.done $0x0  }
0x15b: {  	s19 =	sadd.s32 $0x1, s19;
	[sflag:s17] =	ssyncadd.s32 $0xFFFF8000  }
0x15c: {  	p0 =	sne.s32 s19, s7;
	_ =	swait.ge [sflag:s18], $0x8000  }
.Ltmp2:
0x15d: {  	[sflag:s18] =	ssyncset.done $0x0;
	(pc) =	sbr.rel @p0 .LBB2_1-.Ltmp2, $4  }
0x15e: {  	[sflag:s18] =	ssyncadd.s32 $0xFFFF8000  }
0x15f: {  	_ =	swait.ge [sflag:s16], $0x8000  }
0x160: {  	[sflag:s16] =	ssyncset.done $0x0  }
0x161: {  	[sflag:s16] =	ssyncadd.s32 $0xFFFF8000  }
0x162: {  	_ =	sfence.sel $0x180000  }
0x163: {  	[bflag:$0x0] =	sbarrier.arrive $0xFFFF  }
0x164: {  	p0 =	sne.s32 s2, $0x0;
	_ =	strace $0x90000047  }
0x165: {  	s0 =	sadd.s32 @!p0 $0x100000, s0;
	[bflag:$0x2] =	sbarrier.arrive $0xFFFF  }
0x166: {  	[sflag:s0] =	ssyncadd.tile.s32 @!p0 $0x1;
	_ =	shalt  }
.Lfunc_end2:
_tile_overlayer_lowered:
.L_overlay_start_2:
0x167: {  	(tag) =	ssettag $0x2  }
0x168: {  	s0 =	rddreg [dreg:$0x0];
	s2 =	stileid.u32  }
0x169: {  	s1 =	rddreg [dreg:$0x1];
	p0 =	sne.s32 s2, $0x0  }
0x16a: {  	s3 =	rddreg [dreg:$0x2];
	[bflag:$0x3] =	sbarrier.arrive $0xFFFF;
	s2 =	simm.s32 @!p0 $0x1C04  }
0x16b: {  	[timem:s3], [sflag:s2] =	dma.local @!p0 [hbm:s0], s1  }
0x16c: {  	s0 =	simm.s32 @!p0 $0x4  }
0x16d: {  	_ =	swait.ge @!p0 [sflag:s0], s1  }
0x16e: {  	s1 =	ssub.s32 @!p0 $0x0, s1;
	[sflag:s0] =	ssyncset.done @!p0 $0x0  }
0x16f: {  	[sflag:s0] =	ssyncadd.s32 @!p0 s1  }
0x170: {  	[bflag:$0x3] =	sbarrier.arrive $0xFFFF  }
0x171: {  	_ =	shalt  }

</sc_bundles>
